<compile_context>
chip_gen: v7x
topology: tpu7x:2x2x1
jax: 0.10.2.dev20260603
libtpu: 0.0.44.dev20260713+nightly
codegen_flags: <defaults>
</compile_context>

<pallas_src>
import jax
import jax.numpy as jnp
from jax import lax
from jax.experimental import pallas as pl
from jax.experimental.pallas import tpu as pltpu
from jax.experimental.pallas import tpu_sc as plsc

_NUM_CORES = 2
_NUM_SUBCORES = 16
_NW = _NUM_CORES * _NUM_SUBCORES

_B = 16384
_H = 50
_D = 32
_LANES = 128
_SUB = 8
_G = 4
_CB = _LANES * _G
_BT = _B // _LANES
_GRP = _BT // _G
_NSTEP = _H * _GRP
_SPW = _NSTEP // _NW
_TROW = _G * _SUB
_PAD = 130


def _gather_body(idx_hbm, table_hbm, out_hbm, idx_v, rows_v, trows_v,
                 sem_g0, sem_g1, sem_o0, sem_o1):
    sem_g = (sem_g0, sem_g1)
    sem_o = (sem_o0, sem_o1)
    wid = lax.axis_index("s") * _NUM_CORES + lax.axis_index("c")
    base = wid * _SPW

    lane_iota = lax.iota(jnp.int32, 16)
    dt_lo = lane_iota >> 3
    dt_hi = dt_lo + 2
    ds_lane = lane_iota & 7

    pltpu.sync_copy(idx_hbm.at[pl.ds(base * _CB, _SPW * _CB)], idx_v)

    def start_gather(s, b):
        pltpu.async_copy(
            table_hbm.at[idx_v.at[pl.ds(s * _CB, _CB)]],
            rows_v.at[b], sem_g[b])

    def wait_gather(b):
        pltpu.make_async_copy(
            table_hbm.at[pl.ds(0, _CB)], rows_v.at[b], sem_g[b]).wait()

    def drain_writes(b):
        for _i in range(4):
            pltpu.make_async_copy(
                trows_v.at[b, 0, pl.ds(0, _TROW), pl.ds(0, _LANES)],
                out_hbm.at[pl.ds(0, _TROW), pl.ds(0, _LANES)],
                sem_o[b]).wait()

    def transpose(b):
        tb = trows_v.at[b]

        def tr(i, c):
            for rr in range(8):
                r = i * 8 + rr
                row_v = jnp.full((16,), (r >> 7) * _SUB, jnp.int32) + ds_lane
                col_v = jnp.full((16,), r & 127, jnp.int32)
                v0 = rows_v[b, r, pl.ds(0, 16)]
                v1 = rows_v[b, r, pl.ds(16, 16)]
                plsc.store_scatter(tb, [dt_lo, row_v, col_v], v0)
                plsc.store_scatter(tb, [dt_hi, row_v, col_v], v1)
            return c

        lax.fori_loop(0, _CB // 8, tr, 0)

    def start_writes(s, b):
        sg = base + s
        h = sg // _GRP
        btg = sg % _GRP
        for dt in range(4):
            r2 = (h * 4 + dt) * (_BT * _SUB) + btg * _TROW
            pltpu.async_copy(
                trows_v.at[b, dt, pl.ds(0, _TROW), pl.ds(0, _LANES)],
                out_hbm.at[pl.ds(r2, _TROW), pl.ds(0, _LANES)],
                sem_o[b])

    start_gather(0, 0)

    def pair(p, carry):
        for par in range(2):
            s = 2 * p + par

            @pl.when(s + 1 < _SPW)
            def _():
                start_gather(s + 1, 1 - par)

            wait_gather(par)

            @pl.when(s > 1)
            def _():
                drain_writes(par)

            transpose(par)
            start_writes(s, par)
        return carry

    lax.fori_loop(0, _SPW // 2, pair, 0)
    drain_writes(0)
    drain_writes(1)


def kernel(indices, table):
    B, H = indices.shape
    V, D = table.shape
    N = B * H
    idx_t = jnp.transpose(indices, (1, 0)).reshape(N).astype(jnp.int32)

    mesh = plsc.VectorSubcoreMesh(core_axis_name="c", subcore_axis_name="s")
    k = pl.kernel(
        _gather_body,
        mesh=mesh,
        out_type=jax.ShapeDtypeStruct(
            (_H * (_D // _SUB) * _BT * _SUB, _LANES), jnp.float32),
        scratch_types=[
            pltpu.VMEM((_SPW * _CB,), jnp.int32),
            pltpu.VMEM((2, _CB, _D), jnp.float32),
            pltpu.VMEM((2, 4, _TROW, _PAD), jnp.float32),
            pltpu.SemaphoreType.DMA,
            pltpu.SemaphoreType.DMA,
            pltpu.SemaphoreType.DMA,
            pltpu.SemaphoreType.DMA,
        ],
        compiler_params=pltpu.CompilerParams(
            use_tc_tiling_on_sc=False, needs_layout_passes=False),
    )
    out2 = k(idx_t, table)
    out5 = out2.reshape(_H, _D // _SUB, _BT, _SUB, _LANES)
    out = jnp.transpose(out5, (0, 1, 3, 2, 4)).reshape(_H, _D, _B)
    return jnp.transpose(out, (2, 0, 1))

# --- scband reference (transcript-rebuilt; emitter-appended) ---
"""Pipeline reference for scband-embedding-module-30923764532053 (READ-ONLY COPY).

The authoritative reference and input builder live on the scoring server;
editing this copy changes nothing except your own understanding.
"""

import jax, jax.numpy as jnp
import numpy as np

VOCAB = 1000000
REPR_DIM = 32
BATCH = 16384
HIST = 50

def setup_inputs(seed: int = 0) -> dict:
    key = jax.random.key(seed)
    k_idx, k_tab = jax.random.split(key)
    indices = jax.random.randint(k_idx, (BATCH, HIST), 0, VOCAB, dtype=jnp.int64 if jax.config.jax_enable_x64 else jnp.int32)
    table = jax.random.normal(k_tab, (VOCAB, REPR_DIM), dtype=jnp.float32) * 0.02
    return {"indices": indices, "table": table}

def reference(indices, table):
    # Embedding lookup: gather rows of the table by index.
    out = jnp.take(table, indices, axis=0)  # [BATCH, HIST, REPR_DIM]
    return out

if __name__ == "__main__":
    import jax
    _d = setup_inputs()
    print(jax.jit(kernel)(*tuple(_d.values())))

</pallas_src>

<mosaic_0001>
#map = affine_map<(d0, d1) -> (0)>
#map1 = affine_map<(d0, d1) -> (0, 0)>
module attributes {stable_mosaic.version = 14 : i64} {
  func.func @_gather_body(%arg0: i32, %arg1: i32, %arg2: memref<819200xi32, #tpu.memory_space<hbm>>, %arg3: memref<1000000x32xf32, #tpu.memory_space<hbm>>, %arg4: memref<204800x128xf32, #tpu.memory_space<hbm>>, %arg5: memref<25600xi32, #tpu.memory_space<vmem>>, %arg6: memref<2x512x32xf32, #tpu.memory_space<vmem>>, %arg7: memref<2x4x32x130xf32, #tpu.memory_space<vmem>>, %arg8: memref<!tpu.dma_semaphore, #tpu.memory_space<semaphore_mem>>, %arg9: memref<!tpu.dma_semaphore, #tpu.memory_space<semaphore_mem>>, %arg10: memref<!tpu.dma_semaphore, #tpu.memory_space<semaphore_mem>>, %arg11: memref<!tpu.dma_semaphore, #tpu.memory_space<semaphore_mem>>) attributes {dimension_semantics = [#tpu.dimension_semantics<core_parallel>, #tpu.dimension_semantics<subcore_parallel>], iteration_bounds = array<i64: 2, 16>, scalar_prefetch = 0 : i64, scratch_operands = 7 : i64, tpu.core_type = #tpu.core_type<sc_vector_subcore>, window_params = [{transform_indices = #map}, {transform_indices = #map1}, {transform_indices = #map1}]} {
    %mul3A = arith.constant 2 : i32
    %mul3A_0 = arith.muli %arg1, %mul3A : i32
    %add3A = arith.addi %mul3A_0, %arg0 : i32
    %mul3A_1 = arith.constant 50 : i32
    %mul3A_2 = arith.muli %add3A, %mul3A_1 : i32
    %iota3A = tpu.iota {dimensions = array<i32: 0>} : vector<16xi32>
    %shift_right_arithmetic3A = arith.constant 3 : i32
    %shift_right_arithmetic3A_3 = vector.broadcast %shift_right_arithmetic3A : i32 to vector<16xi32>
    %shift_right_arithmetic3A_4 = arith.shrsi %iota3A, %shift_right_arithmetic3A_3 : vector<16xi32>
    %add3A_5 = arith.constant 2 : i32
    %add3A_6 = vector.broadcast %add3A_5 : i32 to vector<16xi32>
    %add3A_7 = arith.addi %shift_right_arithmetic3A_4, %add3A_6 : vector<16xi32>
    %and3A = arith.constant 7 : i32
    %and3A_8 = vector.broadcast %and3A : i32 to vector<16xi32>
    %and3A_9 = arith.andi %iota3A, %and3A_8 : vector<16xi32>
    %mul3A_10 = arith.constant 512 : i32
    %mul3A_11 = arith.muli %mul3A_2, %mul3A_10 : i32
    "tpu.region"() ({
      %run_scoped3A = tpu.sem_alloc : memref<!tpu.dma_semaphore, #tpu.memory_space<semaphore_mem>>
      %dma_start3A_153 = tpu.memref_slice %arg2[%mul3A_11] : memref<819200xi32, #tpu.memory_space<hbm>> -> memref<25600xi32, #tpu.memory_space<hbm>>
      %dma_start3A_154 = tpu.memref_slice %arg2[%mul3A_11] : memref<819200xi32, #tpu.memory_space<hbm>> -> memref<25600xi32, #tpu.memory_space<hbm>>
      tpu.enqueue_dma source(%dma_start3A_154 : memref<25600xi32, #tpu.memory_space<hbm>>) target(%arg5 : memref<25600xi32, #tpu.memory_space<vmem>>) target_semaphore(%run_scoped3A : memref<!tpu.dma_semaphore, #tpu.memory_space<semaphore_mem>>)
      %dma_wait3A_155 = tpu.memref_slice %arg2[%mul3A_11] : memref<819200xi32, #tpu.memory_space<hbm>> -> memref<25600xi32, #tpu.memory_space<hbm>>
      %dma_wait3A_156 = tpu.memref_slice %arg2[%mul3A_11] : memref<819200xi32, #tpu.memory_space<hbm>> -> memref<25600xi32, #tpu.memory_space<hbm>>
      tpu.wait_dma2 semaphore(%run_scoped3A : memref<!tpu.dma_semaphore, #tpu.memory_space<semaphore_mem>>) src(%dma_wait3A_156 : memref<25600xi32, #tpu.memory_space<hbm>>) dst(%arg5 : memref<25600xi32, #tpu.memory_space<vmem>>)
      tpu.yield
    }) : () -> ()
    %dma_start3A = arith.constant 0 : i32
    %dma_start3A_12 = arith.constant 0 : i32
    %dma_start3A_13 = arith.constant 0 : i32
    %dma_start3A_14 = tpu.memref_slice %arg6[%dma_start3A, %dma_start3A_12, %dma_start3A_13] : memref<2x512x32xf32, #tpu.memory_space<vmem>> -> memref<1x512x32xf32, #tpu.memory_space<vmem>>
    %dma_start3A_15 = tpu.memref_squeeze %dma_start3A_14 : memref<1x512x32xf32, #tpu.memory_space<vmem>> -> memref<512x32xf32, #tpu.memory_space<vmem>>
    %dma_start3A_16 = arith.constant 0 : i32
    %dma_start3A_17 = tpu.memref_slice %arg5[%dma_start3A_16] : memref<25600xi32, #tpu.memory_space<vmem>> -> memref<512xi32, #tpu.memory_space<vmem>>
    %dma_start3A_18 = arith.constant 0 : i32
    %dma_start3A_19 = arith.constant 0 : i32
    %dma_start3A_20 = tpu.memref_slice %arg3[%dma_start3A_18, %dma_start3A_19] : memref<1000000x32xf32, #tpu.memory_space<hbm>> -> memref<1000000x32xf32, #tpu.memory_space<hbm>>
    tpu.enqueue_indirect_dma source(%dma_start3A_20 : memref<1000000x32xf32, #tpu.memory_space<hbm>>) target(%dma_start3A_15 : memref<512x32xf32, #tpu.memory_space<vmem>>) offsets(%dma_start3A_17 : memref<512xi32, #tpu.memory_space<vmem>>) semaphore(%arg8 : memref<!tpu.dma_semaphore, #tpu.memory_space<semaphore_mem>>)
    %scan3A = arith.constant 0 : i32
    %scan3A_21 = arith.constant 0 : i32
    %scan3A_22 = arith.constant 25 : i32
    %scan3A_23 = arith.addi %scan3A_21, %scan3A_22 : i32
    %scan3A_24 = arith.constant 1 : i32
    scf.for %scan3A_153 = %scan3A_21 to %scan3A_23 step %scan3A_24  : i32 {
      %mul3A_154 = arith.constant 2 : i32
      %mul3A_155 = arith.muli %mul3A_154, %scan3A_153 : i32
      %add3A_156 = arith.constant 0 : i32
      %add3A_157 = arith.addi %mul3A_155, %add3A_156 : i32
      %add3A_158 = arith.constant 1 : i32
      %add3A_159 = arith.addi %add3A_157, %add3A_158 : i32
      %lt3A = arith.constant 50 : i32
      %lt3A_160 = arith.cmpi slt, %add3A_159, %lt3A : i32
      %convert_element_type3A = arith.extui %lt3A_160 : i1 to i32
      %cond3A = arith.constant 0 : i32
      %cond3A_161 = arith.cmpi ne, %convert_element_type3A, %cond3A : i32
      scf.if %cond3A_161 {
        %add3A_484 = arith.constant 1 : i32
        %add3A_485 = arith.addi %add3A_157, %add3A_484 : i32
        %mul3A_486 = arith.constant 512 : i32
        %mul3A_487 = arith.muli %add3A_485, %mul3A_486 : i32
        %dma_start3A_488 = arith.constant 1 : i32
        %dma_start3A_489 = arith.constant 0 : i32
        %dma_start3A_490 = arith.constant 0 : i32
        %dma_start3A_491 = tpu.memref_slice %arg6[%dma_start3A_488, %dma_start3A_489, %dma_start3A_490] : memref<2x512x32xf32, #tpu.memory_space<vmem>> -> memref<1x512x32xf32, #tpu.memory_space<vmem>>
        %dma_start3A_492 = tpu.memref_squeeze %dma_start3A_491 : memref<1x512x32xf32, #tpu.memory_space<vmem>> -> memref<512x32xf32, #tpu.memory_space<vmem>>
        %dma_start3A_493 = tpu.memref_slice %arg5[%mul3A_487] : memref<25600xi32, #tpu.memory_space<vmem>> -> memref<512xi32, #tpu.memory_space<vmem>>
        %dma_start3A_494 = arith.constant 0 : i32
        %dma_start3A_495 = arith.constant 0 : i32
        %dma_start3A_496 = tpu.memref_slice %arg3[%dma_start3A_494, %dma_start3A_495] : memref<1000000x32xf32, #tpu.memory_space<hbm>> -> memref<1000000x32xf32, #tpu.memory_space<hbm>>
        tpu.enqueue_indirect_dma source(%dma_start3A_496 : memref<1000000x32xf32, #tpu.memory_space<hbm>>) target(%dma_start3A_492 : memref<512x32xf32, #tpu.memory_space<vmem>>) offsets(%dma_start3A_493 : memref<512xi32, #tpu.memory_space<vmem>>) semaphore(%arg9 : memref<!tpu.dma_semaphore, #tpu.memory_space<semaphore_mem>>)
      } else {
      }
      %dma_wait3A_162 = arith.constant 0 : i32
      %dma_wait3A_163 = arith.constant 0 : i32
      %dma_wait3A_164 = arith.constant 0 : i32
      %dma_wait3A_165 = tpu.memref_slice %arg6[%dma_wait3A_162, %dma_wait3A_163, %dma_wait3A_164] : memref<2x512x32xf32, #tpu.memory_space<vmem>> -> memref<1x512x32xf32, #tpu.memory_space<vmem>>
      %dma_wait3A_166 = tpu.memref_squeeze %dma_wait3A_165 : memref<1x512x32xf32, #tpu.memory_space<vmem>> -> memref<512x32xf32, #tpu.memory_space<vmem>>
      %dma_wait3A_167 = arith.constant 0 : i32
      %dma_wait3A_168 = arith.constant 0 : i32
      %dma_wait3A_169 = tpu.memref_slice %arg3[%dma_wait3A_167, %dma_wait3A_168] : memref<1000000x32xf32, #tpu.memory_space<hbm>> -> memref<512x32xf32, #tpu.memory_space<hbm>>
      %dma_wait3A_170 = arith.constant 0 : i32
      %dma_wait3A_171 = arith.constant 0 : i32
      %dma_wait3A_172 = tpu.memref_slice %arg6[%dma_wait3A_162, %dma_wait3A_170, %dma_wait3A_171] : memref<2x512x32xf32, #tpu.memory_space<vmem>> -> memref<1x512x32xf32, #tpu.memory_space<vmem>>
      %dma_wait3A_173 = tpu.memref_squeeze %dma_wait3A_172 : memref<1x512x32xf32, #tpu.memory_space<vmem>> -> memref<512x32xf32, #tpu.memory_space<vmem>>
      %dma_wait3A_174 = arith.constant 0 : i32
      %dma_wait3A_175 = arith.constant 0 : i32
      %dma_wait3A_176 = tpu.memref_slice %arg3[%dma_wait3A_174, %dma_wait3A_175] : memref<1000000x32xf32, #tpu.memory_space<hbm>> -> memref<512x32xf32, #tpu.memory_space<hbm>>
      tpu.wait_dma2 semaphore(%arg8 : memref<!tpu.dma_semaphore, #tpu.memory_space<semaphore_mem>>) src(%dma_wait3A_176 : memref<512x32xf32, #tpu.memory_space<hbm>>) dst(%dma_wait3A_173 : memref<512x32xf32, #tpu.memory_space<vmem>>)
      %gt3A = arith.constant 1 : i32
      %gt3A_177 = arith.cmpi sgt, %add3A_157, %gt3A : i32
      %convert_element_type3A_178 = arith.extui %gt3A_177 : i1 to i32
      %cond3A_179 = arith.constant 0 : i32
      %cond3A_180 = arith.cmpi ne, %convert_element_type3A_178, %cond3A_179 : i32
      scf.if %cond3A_180 {
        %dma_wait3A_484 = arith.constant 0 : i32
        %dma_wait3A_485 = arith.constant 0 : i32
        %dma_wait3A_486 = arith.constant 0 : i32
        %dma_wait3A_487 = arith.constant 0 : i32
        %dma_wait3A_488 = tpu.memref_slice %arg7[%dma_wait3A_484, %dma_wait3A_485, %dma_wait3A_486, %dma_wait3A_487] : memref<2x4x32x130xf32, #tpu.memory_space<vmem>> -> memref<1x1x32x128xf32, #tpu.memory_space<vmem>>
        %dma_wait3A_489 = tpu.memref_squeeze %dma_wait3A_488 : memref<1x1x32x128xf32, #tpu.memory_space<vmem>> -> memref<32x128xf32, #tpu.memory_space<vmem>>
        %dma_wait3A_490 = arith.constant 0 : i32
        %dma_wait3A_491 = arith.constant 0 : i32
        %dma_wait3A_492 = tpu.memref_slice %arg4[%dma_wait3A_490, %dma_wait3A_491] : memref<204800x128xf32, #tpu.memory_space<hbm>> -> memref<32x128xf32, #tpu.memory_space<hbm>>
        %dma_wait3A_493 = arith.constant 0 : i32
        %dma_wait3A_494 = arith.constant 0 : i32
        %dma_wait3A_495 = tpu.memref_slice %arg4[%dma_wait3A_493, %dma_wait3A_494] : memref<204800x128xf32, #tpu.memory_space<hbm>> -> memref<32x128xf32, #tpu.memory_space<hbm>>
        %dma_wait3A_496 = arith.constant 0 : i32
        %dma_wait3A_497 = arith.constant 0 : i32
        %dma_wait3A_498 = tpu.memref_slice %arg7[%dma_wait3A_484, %dma_wait3A_485, %dma_wait3A_496, %dma_wait3A_497] : memref<2x4x32x130xf32, #tpu.memory_space<vmem>> -> memref<1x1x32x128xf32, #tpu.memory_space<vmem>>
        %dma_wait3A_499 = tpu.memref_squeeze %dma_wait3A_498 : memref<1x1x32x128xf32, #tpu.memory_space<vmem>> -> memref<32x128xf32, #tpu.memory_space<vmem>>
        tpu.wait_dma2 semaphore(%arg10 : memref<!tpu.dma_semaphore, #tpu.memory_space<semaphore_mem>>) src(%dma_wait3A_499 : memref<32x128xf32, #tpu.memory_space<vmem>>) dst(%dma_wait3A_495 : memref<32x128xf32, #tpu.memory_space<hbm>>)
        %dma_wait3A_500 = arith.constant 0 : i32
        %dma_wait3A_501 = arith.constant 0 : i32
        %dma_wait3A_502 = arith.constant 0 : i32
        %dma_wait3A_503 = arith.constant 0 : i32
        %dma_wait3A_504 = tpu.memref_slice %arg7[%dma_wait3A_500, %dma_wait3A_501, %dma_wait3A_502, %dma_wait3A_503] : memref<2x4x32x130xf32, #tpu.memory_space<vmem>> -> memref<1x1x32x128xf32, #tpu.memory_space<vmem>>
        %dma_wait3A_505 = tpu.memref_squeeze %dma_wait3A_504 : memref<1x1x32x128xf32, #tpu.memory_space<vmem>> -> memref<32x128xf32, #tpu.memory_space<vmem>>
        %dma_wait3A_506 = arith.constant 0 : i32
        %dma_wait3A_507 = arith.constant 0 : i32
        %dma_wait3A_508 = tpu.memref_slice %arg4[%dma_wait3A_506, %dma_wait3A_507] : memref<204800x128xf32, #tpu.memory_space<hbm>> -> memref<32x128xf32, #tpu.memory_space<hbm>>
        %dma_wait3A_509 = arith.constant 0 : i32
        %dma_wait3A_510 = arith.constant 0 : i32
        %dma_wait3A_511 = tpu.memref_slice %arg4[%dma_wait3A_509, %dma_wait3A_510] : memref<204800x128xf32, #tpu.memory_space<hbm>> -> memref<32x128xf32, #tpu.memory_space<hbm>>
        %dma_wait3A_512 = arith.constant 0 : i32
        %dma_wait3A_513 = arith.constant 0 : i32
        %dma_wait3A_514 = tpu.memref_slice %arg7[%dma_wait3A_500, %dma_wait3A_501, %dma_wait3A_512, %dma_wait3A_513] : memref<2x4x32x130xf32, #tpu.memory_space<vmem>> -> memref<1x1x32x128xf32, #tpu.memory_space<vmem>>
        %dma_wait3A_515 = tpu.memref_squeeze %dma_wait3A_514 : memref<1x1x32x128xf32, #tpu.memory_space<vmem>> -> memref<32x128xf32, #tpu.memory_space<vmem>>
        tpu.wait_dma2 semaphore(%arg10 : memref<!tpu.dma_semaphore, #tpu.memory_space<semaphore_mem>>) src(%dma_wait3A_515 : memref<32x128xf32, #tpu.memory_space<vmem>>) dst(%dma_wait3A_511 : memref<32x128xf32, #tpu.memory_space<hbm>>)
        %dma_wait3A_516 = arith.constant 0 : i32
        %dma_wait3A_517 = arith.constant 0 : i32
        %dma_wait3A_518 = arith.constant 0 : i32
        %dma_wait3A_519 = arith.constant 0 : i32
        %dma_wait3A_520 = tpu.memref_slice %arg7[%dma_wait3A_516, %dma_wait3A_517, %dma_wait3A_518, %dma_wait3A_519] : memref<2x4x32x130xf32, #tpu.memory_space<vmem>> -> memref<1x1x32x128xf32, #tpu.memory_space<vmem>>
        %dma_wait3A_521 = tpu.memref_squeeze %dma_wait3A_520 : memref<1x1x32x128xf32, #tpu.memory_space<vmem>> -> memref<32x128xf32, #tpu.memory_space<vmem>>
        %dma_wait3A_522 = arith.constant 0 : i32
        %dma_wait3A_523 = arith.constant 0 : i32
        %dma_wait3A_524 = tpu.memref_slice %arg4[%dma_wait3A_522, %dma_wait3A_523] : memref<204800x128xf32, #tpu.memory_space<hbm>> -> memref<32x128xf32, #tpu.memory_space<hbm>>
        %dma_wait3A_525 = arith.constant 0 : i32
        %dma_wait3A_526 = arith.constant 0 : i32
        %dma_wait3A_527 = tpu.memref_slice %arg4[%dma_wait3A_525, %dma_wait3A_526] : memref<204800x128xf32, #tpu.memory_space<hbm>> -> memref<32x128xf32, #tpu.memory_space<hbm>>
        %dma_wait3A_528 = arith.constant 0 : i32
        %dma_wait3A_529 = arith.constant 0 : i32
        %dma_wait3A_530 = tpu.memref_slice %arg7[%dma_wait3A_516, %dma_wait3A_517, %dma_wait3A_528, %dma_wait3A_529] : memref<2x4x32x130xf32, #tpu.memory_space<vmem>> -> memref<1x1x32x128xf32, #tpu.memory_space<vmem>>
        %dma_wait3A_531 = tpu.memref_squeeze %dma_wait3A_530 : memref<1x1x32x128xf32, #tpu.memory_space<vmem>> -> memref<32x128xf32, #tpu.memory_space<vmem>>
        tpu.wait_dma2 semaphore(%arg10 : memref<!tpu.dma_semaphore, #tpu.memory_space<semaphore_mem>>) src(%dma_wait3A_531 : memref<32x128xf32, #tpu.memory_space<vmem>>) dst(%dma_wait3A_527 : memref<32x128xf32, #tpu.memory_space<hbm>>)
        %dma_wait3A_532 = arith.constant 0 : i32
        %dma_wait3A_533 = arith.constant 0 : i32
        %dma_wait3A_534 = arith.constant 0 : i32
        %dma_wait3A_535 = arith.constant 0 : i32
        %dma_wait3A_536 = tpu.memref_slice %arg7[%dma_wait3A_532, %dma_wait3A_533, %dma_wait3A_534, %dma_wait3A_535] : memref<2x4x32x130xf32, #tpu.memory_space<vmem>> -> memref<1x1x32x128xf32, #tpu.memory_space<vmem>>
        %dma_wait3A_537 = tpu.memref_squeeze %dma_wait3A_536 : memref<1x1x32x128xf32, #tpu.memory_space<vmem>> -> memref<32x128xf32, #tpu.memory_space<vmem>>
        %dma_wait3A_538 = arith.constant 0 : i32
        %dma_wait3A_539 = arith.constant 0 : i32
        %dma_wait3A_540 = tpu.memref_slice %arg4[%dma_wait3A_538, %dma_wait3A_539] : memref<204800x128xf32, #tpu.memory_space<hbm>> -> memref<32x128xf32, #tpu.memory_space<hbm>>
        %dma_wait3A_541 = arith.constant 0 : i32
        %dma_wait3A_542 = arith.constant 0 : i32
        %dma_wait3A_543 = tpu.memref_slice %arg4[%dma_wait3A_541, %dma_wait3A_542] : memref<204800x128xf32, #tpu.memory_space<hbm>> -> memref<32x128xf32, #tpu.memory_space<hbm>>
        %dma_wait3A_544 = arith.constant 0 : i32
        %dma_wait3A_545 = arith.constant 0 : i32
        %dma_wait3A_546 = tpu.memref_slice %arg7[%dma_wait3A_532, %dma_wait3A_533, %dma_wait3A_544, %dma_wait3A_545] : memref<2x4x32x130xf32, #tpu.memory_space<vmem>> -> memref<1x1x32x128xf32, #tpu.memory_space<vmem>>
        %dma_wait3A_547 = tpu.memref_squeeze %dma_wait3A_546 : memref<1x1x32x128xf32, #tpu.memory_space<vmem>> -> memref<32x128xf32, #tpu.memory_space<vmem>>
        tpu.wait_dma2 semaphore(%arg10 : memref<!tpu.dma_semaphore, #tpu.memory_space<semaphore_mem>>) src(%dma_wait3A_547 : memref<32x128xf32, #tpu.memory_space<vmem>>) dst(%dma_wait3A_543 : memref<32x128xf32, #tpu.memory_space<hbm>>)
      } else {
      }
      %scan3A_181 = arith.constant 0 : i32
      %scan3A_182 = arith.constant 0 : i32
      %scan3A_183 = arith.constant 0 : i32
      %scan3A_184 = arith.constant 64 : i32
      %scan3A_185 = arith.addi %scan3A_183, %scan3A_184 : i32
      %scan3A_186 = arith.constant 1 : i32
      scf.for %scan3A_484 = %scan3A_183 to %scan3A_185 step %scan3A_186  : i32 {
        %mul3A_485 = arith.constant 8 : i32
        %mul3A_486 = arith.muli %scan3A_484, %mul3A_485 : i32
        %add3A_487 = arith.constant 0 : i32
        %add3A_488 = arith.addi %mul3A_486, %add3A_487 : i32
        %shift_right_arithmetic3A_489 = arith.constant 7 : i32
        %shift_right_arithmetic3A_490 = arith.shrsi %add3A_488, %shift_right_arithmetic3A_489 : i32
        %mul3A_491 = arith.constant 8 : i32
        %mul3A_492 = arith.muli %shift_right_arithmetic3A_490, %mul3A_491 : i32
        %broadcast_in_dim3A = vector.broadcast %mul3A_492 : i32 to vector<16xi32>
        %add3A_493 = arith.addi %broadcast_in_dim3A, %and3A_9 : vector<16xi32>
        %and3A_494 = arith.constant 127 : i32
        %and3A_495 = arith.andi %add3A_488, %and3A_494 : i32
        %broadcast_in_dim3A_496 = vector.broadcast %and3A_495 : i32 to vector<16xi32>
        %get3A = arith.constant 0 : i32
        %get3A_497 = arith.index_cast %get3A : i32 to index
        %get3A_498 = arith.index_cast %add3A_488 : i32 to index
        %get3A_499 = arith.constant 0 : index
        %get3A_500 = tpu.vector_load %arg6[%get3A_497, %get3A_498, %get3A_499] {strides = array<i32>} : memref<2x512x32xf32, #tpu.memory_space<vmem>>, vector<16xf32>,
        %get3A_501 = arith.constant 0 : i32
        %get3A_502 = arith.index_cast %get3A_501 : i32 to index
        %get3A_503 = arith.index_cast %add3A_488 : i32 to index
        %get3A_504 = arith.constant 16 : index
        %get3A_505 = tpu.vector_load %arg6[%get3A_502, %get3A_503, %get3A_504] {strides = array<i32>} : memref<2x512x32xf32, #tpu.memory_space<vmem>>, vector<16xf32>,
        %scatter3A = arith.constant 0 : i32
        %scatter3A_506 = arith.constant 0 : i32
        %scatter3A_507 = arith.constant 0 : i32
        %scatter3A_508 = tpu.memref_slice %arg7[%scan3A_182, %scatter3A, %scatter3A_506, %scatter3A_507] : memref<2x4x32x130xf32, #tpu.memory_space<vmem>> -> memref<1x4x32x130xf32, #tpu.memory_space<vmem>>
        %scatter3A_509 = tpu.memref_squeeze %scatter3A_508 : memref<1x4x32x130xf32, #tpu.memory_space<vmem>> -> memref<4x32x130xf32, #tpu.memory_space<vmem>>
        tpu.vector_store_idx %scatter3A_509[%shift_right_arithmetic3A_4, %add3A_493, %broadcast_in_dim3A_496], %get3A_500 : memref<4x32x130xf32, #tpu.memory_space<vmem>>[vector<16xi32>, vector<16xi32>, vector<16xi32>], vector<16xf32>,
        %scatter3A_510 = arith.constant 0 : i32
        %scatter3A_511 = arith.constant 0 : i32
        %scatter3A_512 = arith.constant 0 : i32
        %scatter3A_513 = tpu.memref_slice %arg7[%scan3A_182, %scatter3A_510, %scatter3A_511, %scatter3A_512] : memref<2x4x32x130xf32, #tpu.memory_space<vmem>> -> memref<1x4x32x130xf32, #tpu.memory_space<vmem>>
        %scatter3A_514 = tpu.memref_squeeze %scatter3A_513 : memref<1x4x32x130xf32, #tpu.memory_space<vmem>> -> memref<4x32x130xf32, #tpu.memory_space<vmem>>
        tpu.vector_store_idx %scatter3A_514[%add3A_7, %add3A_493, %broadcast_in_dim3A_496], %get3A_505 : memref<4x32x130xf32, #tpu.memory_space<vmem>>[vector<16xi32>, vector<16xi32>, vector<16xi32>], vector<16xf32>,
        %mul3A_515 = arith.constant 8 : i32
        %mul3A_516 = arith.muli %scan3A_484, %mul3A_515 : i32
        %add3A_517 = arith.constant 1 : i32
        %add3A_518 = arith.addi %mul3A_516, %add3A_517 : i32
        %shift_right_arithmetic3A_519 = arith.constant 7 : i32
        %shift_right_arithmetic3A_520 = arith.shrsi %add3A_518, %shift_right_arithmetic3A_519 : i32
        %mul3A_521 = arith.constant 8 : i32
        %mul3A_522 = arith.muli %shift_right_arithmetic3A_520, %mul3A_521 : i32
        %broadcast_in_dim3A_523 = vector.broadcast %mul3A_522 : i32 to vector<16xi32>
        %add3A_524 = arith.addi %broadcast_in_dim3A_523, %and3A_9 : vector<16xi32>
        %and3A_525 = arith.constant 127 : i32
        %and3A_526 = arith.andi %add3A_518, %and3A_525 : i32
        %broadcast_in_dim3A_527 = vector.broadcast %and3A_526 : i32 to vector<16xi32>
        %get3A_528 = arith.constant 0 : i32
        %get3A_529 = arith.index_cast %get3A_528 : i32 to index
        %get3A_530 = arith.index_cast %add3A_518 : i32 to index
        %get3A_531 = arith.constant 0 : index
        %get3A_532 = tpu.vector_load %arg6[%get3A_529, %get3A_530, %get3A_531] {strides = array<i32>} : memref<2x512x32xf32, #tpu.memory_space<vmem>>, vector<16xf32>,
        %get3A_533 = arith.constant 0 : i32
        %get3A_534 = arith.index_cast %get3A_533 : i32 to index
        %get3A_535 = arith.index_cast %add3A_518 : i32 to index
        %get3A_536 = arith.constant 16 : index
        %get3A_537 = tpu.vector_load %arg6[%get3A_534, %get3A_535, %get3A_536] {strides = array<i32>} : memref<2x512x32xf32, #tpu.memory_space<vmem>>, vector<16xf32>,
        %scatter3A_538 = arith.constant 0 : i32
        %scatter3A_539 = arith.constant 0 : i32
        %scatter3A_540 = arith.constant 0 : i32
        %scatter3A_541 = tpu.memref_slice %arg7[%scan3A_182, %scatter3A_538, %scatter3A_539, %scatter3A_540] : memref<2x4x32x130xf32, #tpu.memory_space<vmem>> -> memref<1x4x32x130xf32, #tpu.memory_space<vmem>>
        %scatter3A_542 = tpu.memref_squeeze %scatter3A_541 : memref<1x4x32x130xf32, #tpu.memory_space<vmem>> -> memref<4x32x130xf32, #tpu.memory_space<vmem>>
        tpu.vector_store_idx %scatter3A_542[%shift_right_arithmetic3A_4, %add3A_524, %broadcast_in_dim3A_527], %get3A_532 : memref<4x32x130xf32, #tpu.memory_space<vmem>>[vector<16xi32>, vector<16xi32>, vector<16xi32>], vector<16xf32>,
        %scatter3A_543 = arith.constant 0 : i32
        %scatter3A_544 = arith.constant 0 : i32
        %scatter3A_545 = arith.constant 0 : i32
        %scatter3A_546 = tpu.memref_slice %arg7[%scan3A_182, %scatter3A_543, %scatter3A_544, %scatter3A_545] : memref<2x4x32x130xf32, #tpu.memory_space<vmem>> -> memref<1x4x32x130xf32, #tpu.memory_space<vmem>>
        %scatter3A_547 = tpu.memref_squeeze %scatter3A_546 : memref<1x4x32x130xf32, #tpu.memory_space<vmem>> -> memref<4x32x130xf32, #tpu.memory_space<vmem>>
        tpu.vector_store_idx %scatter3A_547[%add3A_7, %add3A_524, %broadcast_in_dim3A_527], %get3A_537 : memref<4x32x130xf32, #tpu.memory_space<vmem>>[vector<16xi32>, vector<16xi32>, vector<16xi32>], vector<16xf32>,
        %mul3A_548 = arith.constant 8 : i32
        %mul3A_549 = arith.muli %scan3A_484, %mul3A_548 : i32
        %add3A_550 = arith.constant 2 : i32
        %add3A_551 = arith.addi %mul3A_549, %add3A_550 : i32
        %shift_right_arithmetic3A_552 = arith.constant 7 : i32
        %shift_right_arithmetic3A_553 = arith.shrsi %add3A_551, %shift_right_arithmetic3A_552 : i32
        %mul3A_554 = arith.constant 8 : i32
        %mul3A_555 = arith.muli %shift_right_arithmetic3A_553, %mul3A_554 : i32
        %broadcast_in_dim3A_556 = vector.broadcast %mul3A_555 : i32 to vector<16xi32>
        %add3A_557 = arith.addi %broadcast_in_dim3A_556, %and3A_9 : vector<16xi32>
        %and3A_558 = arith.constant 127 : i32
        %and3A_559 = arith.andi %add3A_551, %and3A_558 : i32
        %broadcast_in_dim3A_560 = vector.broadcast %and3A_559 : i32 to vector<16xi32>
        %get3A_561 = arith.constant 0 : i32
        %get3A_562 = arith.index_cast %get3A_561 : i32 to index
        %get3A_563 = arith.index_cast %add3A_551 : i32 to index
        %get3A_564 = arith.constant 0 : index
        %get3A_565 = tpu.vector_load %arg6[%get3A_562, %get3A_563, %get3A_564] {strides = array<i32>} : memref<2x512x32xf32, #tpu.memory_space<vmem>>, vector<16xf32>,
        %get3A_566 = arith.constant 0 : i32
        %get3A_567 = arith.index_cast %get3A_566 : i32 to index
        %get3A_568 = arith.index_cast %add3A_551 : i32 to index
        %get3A_569 = arith.constant 16 : index
        %get3A_570 = tpu.vector_load %arg6[%get3A_567, %get3A_568, %get3A_569] {strides = array<i32>} : memref<2x512x32xf32, #tpu.memory_space<vmem>>, vector<16xf32>,
        %scatter3A_571 = arith.constant 0 : i32
        %scatter3A_572 = arith.constant 0 : i32
        %scatter3A_573 = arith.constant 0 : i32
        %scatter3A_574 = tpu.memref_slice %arg7[%scan3A_182, %scatter3A_571, %scatter3A_572, %scatter3A_573] : memref<2x4x32x130xf32, #tpu.memory_space<vmem>> -> memref<1x4x32x130xf32, #tpu.memory_space<vmem>>
        %scatter3A_575 = tpu.memref_squeeze %scatter3A_574 : memref<1x4x32x130xf32, #tpu.memory_space<vmem>> -> memref<4x32x130xf32, #tpu.memory_space<vmem>>
        tpu.vector_store_idx %scatter3A_575[%shift_right_arithmetic3A_4, %add3A_557, %broadcast_in_dim3A_560], %get3A_565 : memref<4x32x130xf32, #tpu.memory_space<vmem>>[vector<16xi32>, vector<16xi32>, vector<16xi32>], vector<16xf32>,
        %scatter3A_576 = arith.constant 0 : i32
        %scatter3A_577 = arith.constant 0 : i32
        %scatter3A_578 = arith.constant 0 : i32
        %scatter3A_579 = tpu.memref_slice %arg7[%scan3A_182, %scatter3A_576, %scatter3A_577, %scatter3A_578] : memref<2x4x32x130xf32, #tpu.memory_space<vmem>> -> memref<1x4x32x130xf32, #tpu.memory_space<vmem>>
        %scatter3A_580 = tpu.memref_squeeze %scatter3A_579 : memref<1x4x32x130xf32, #tpu.memory_space<vmem>> -> memref<4x32x130xf32, #tpu.memory_space<vmem>>
        tpu.vector_store_idx %scatter3A_580[%add3A_7, %add3A_557, %broadcast_in_dim3A_560], %get3A_570 : memref<4x32x130xf32, #tpu.memory_space<vmem>>[vector<16xi32>, vector<16xi32>, vector<16xi32>], vector<16xf32>,
        %mul3A_581 = arith.constant 8 : i32
        %mul3A_582 = arith.muli %scan3A_484, %mul3A_581 : i32
        %add3A_583 = arith.constant 3 : i32
        %add3A_584 = arith.addi %mul3A_582, %add3A_583 : i32
        %shift_right_arithmetic3A_585 = arith.constant 7 : i32
        %shift_right_arithmetic3A_586 = arith.shrsi %add3A_584, %shift_right_arithmetic3A_585 : i32
        %mul3A_587 = arith.constant 8 : i32
        %mul3A_588 = arith.muli %shift_right_arithmetic3A_586, %mul3A_587 : i32
        %broadcast_in_dim3A_589 = vector.broadcast %mul3A_588 : i32 to vector<16xi32>
        %add3A_590 = arith.addi %broadcast_in_dim3A_589, %and3A_9 : vector<16xi32>
        %and3A_591 = arith.constant 127 : i32
        %and3A_592 = arith.andi %add3A_584, %and3A_591 : i32
        %broadcast_in_dim3A_593 = vector.broadcast %and3A_592 : i32 to vector<16xi32>
        %get3A_594 = arith.constant 0 : i32
        %get3A_595 = arith.index_cast %get3A_594 : i32 to index
        %get3A_596 = arith.index_cast %add3A_584 : i32 to index
        %get3A_597 = arith.constant 0 : index
        %get3A_598 = tpu.vector_load %arg6[%get3A_595, %get3A_596, %get3A_597] {strides = array<i32>} : memref<2x512x32xf32, #tpu.memory_space<vmem>>, vector<16xf32>,
        %get3A_599 = arith.constant 0 : i32
        %get3A_600 = arith.index_cast %get3A_599 : i32 to index
        %get3A_601 = arith.index_cast %add3A_584 : i32 to index
        %get3A_602 = arith.constant 16 : index
        %get3A_603 = tpu.vector_load %arg6[%get3A_600, %get3A_601, %get3A_602] {strides = array<i32>} : memref<2x512x32xf32, #tpu.memory_space<vmem>>, vector<16xf32>,
        %scatter3A_604 = arith.constant 0 : i32
        %scatter3A_605 = arith.constant 0 : i32
        %scatter3A_606 = arith.constant 0 : i32
        %scatter3A_607 = tpu.memref_slice %arg7[%scan3A_182, %scatter3A_604, %scatter3A_605, %scatter3A_606] : memref<2x4x32x130xf32, #tpu.memory_space<vmem>> -> memref<1x4x32x130xf32, #tpu.memory_space<vmem>>
        %scatter3A_608 = tpu.memref_squeeze %scatter3A_607 : memref<1x4x32x130xf32, #tpu.memory_space<vmem>> -> memref<4x32x130xf32, #tpu.memory_space<vmem>>
        tpu.vector_store_idx %scatter3A_608[%shift_right_arithmetic3A_4, %add3A_590, %broadcast_in_dim3A_593], %get3A_598 : memref<4x32x130xf32, #tpu.memory_space<vmem>>[vector<16xi32>, vector<16xi32>, vector<16xi32>], vector<16xf32>,
        %scatter3A_609 = arith.constant 0 : i32
        %scatter3A_610 = arith.constant 0 : i32
        %scatter3A_611 = arith.constant 0 : i32
        %scatter3A_612 = tpu.memref_slice %arg7[%scan3A_182, %scatter3A_609, %scatter3A_610, %scatter3A_611] : memref<2x4x32x130xf32, #tpu.memory_space<vmem>> -> memref<1x4x32x130xf32, #tpu.memory_space<vmem>>
        %scatter3A_613 = tpu.memref_squeeze %scatter3A_612 : memref<1x4x32x130xf32, #tpu.memory_space<vmem>> -> memref<4x32x130xf32, #tpu.memory_space<vmem>>
        tpu.vector_store_idx %scatter3A_613[%add3A_7, %add3A_590, %broadcast_in_dim3A_593], %get3A_603 : memref<4x32x130xf32, #tpu.memory_space<vmem>>[vector<16xi32>, vector<16xi32>, vector<16xi32>], vector<16xf32>,
        %mul3A_614 = arith.constant 8 : i32
        %mul3A_615 = arith.muli %scan3A_484, %mul3A_614 : i32
        %add3A_616 = arith.constant 4 : i32
        %add3A_617 = arith.addi %mul3A_615, %add3A_616 : i32
        %shift_right_arithmetic3A_618 = arith.constant 7 : i32
        %shift_right_arithmetic3A_619 = arith.shrsi %add3A_617, %shift_right_arithmetic3A_618 : i32
        %mul3A_620 = arith.constant 8 : i32
        %mul3A_621 = arith.muli %shift_right_arithmetic3A_619, %mul3A_620 : i32
        %broadcast_in_dim3A_622 = vector.broadcast %mul3A_621 : i32 to vector<16xi32>
        %add3A_623 = arith.addi %broadcast_in_dim3A_622, %and3A_9 : vector<16xi32>
        %and3A_624 = arith.constant 127 : i32
        %and3A_625 = arith.andi %add3A_617, %and3A_624 : i32
        %broadcast_in_dim3A_626 = vector.broadcast %and3A_625 : i32 to vector<16xi32>
        %get3A_627 = arith.constant 0 : i32
        %get3A_628 = arith.index_cast %get3A_627 : i32 to index
        %get3A_629 = arith.index_cast %add3A_617 : i32 to index
        %get3A_630 = arith.constant 0 : index
        %get3A_631 = tpu.vector_load %arg6[%get3A_628, %get3A_629, %get3A_630] {strides = array<i32>} : memref<2x512x32xf32, #tpu.memory_space<vmem>>, vector<16xf32>,
        %get3A_632 = arith.constant 0 : i32
        %get3A_633 = arith.index_cast %get3A_632 : i32 to index
        %get3A_634 = arith.index_cast %add3A_617 : i32 to index
        %get3A_635 = arith.constant 16 : index
        %get3A_636 = tpu.vector_load %arg6[%get3A_633, %get3A_634, %get3A_635] {strides = array<i32>} : memref<2x512x32xf32, #tpu.memory_space<vmem>>, vector<16xf32>,
        %scatter3A_637 = arith.constant 0 : i32
        %scatter3A_638 = arith.constant 0 : i32
        %scatter3A_639 = arith.constant 0 : i32
        %scatter3A_640 = tpu.memref_slice %arg7[%scan3A_182, %scatter3A_637, %scatter3A_638, %scatter3A_639] : memref<2x4x32x130xf32, #tpu.memory_space<vmem>> -> memref<1x4x32x130xf32, #tpu.memory_space<vmem>>
        %scatter3A_641 = tpu.memref_squeeze %scatter3A_640 : memref<1x4x32x130xf32, #tpu.memory_space<vmem>> -> memref<4x32x130xf32, #tpu.memory_space<vmem>>
        tpu.vector_store_idx %scatter3A_641[%shift_right_arithmetic3A_4, %add3A_623, %broadcast_in_dim3A_626], %get3A_631 : memref<4x32x130xf32, #tpu.memory_space<vmem>>[vector<16xi32>, vector<16xi32>, vector<16xi32>], vector<16xf32>,
        %scatter3A_642 = arith.constant 0 : i32
        %scatter3A_643 = arith.constant 0 : i32
        %scatter3A_644 = arith.constant 0 : i32
        %scatter3A_645 = tpu.memref_slice %arg7[%scan3A_182, %scatter3A_642, %scatter3A_643, %scatter3A_644] : memref<2x4x32x130xf32, #tpu.memory_space<vmem>> -> memref<1x4x32x130xf32, #tpu.memory_space<vmem>>
        %scatter3A_646 = tpu.memref_squeeze %scatter3A_645 : memref<1x4x32x130xf32, #tpu.memory_space<vmem>> -> memref<4x32x130xf32, #tpu.memory_space<vmem>>
        tpu.vector_store_idx %scatter3A_646[%add3A_7, %add3A_623, %broadcast_in_dim3A_626], %get3A_636 : memref<4x32x130xf32, #tpu.memory_space<vmem>>[vector<16xi32>, vector<16xi32>, vector<16xi32>], vector<16xf32>,
        %mul3A_647 = arith.constant 8 : i32
        %mul3A_648 = arith.muli %scan3A_484, %mul3A_647 : i32
        %add3A_649 = arith.constant 5 : i32
        %add3A_650 = arith.addi %mul3A_648, %add3A_649 : i32
        %shift_right_arithmetic3A_651 = arith.constant 7 : i32
        %shift_right_arithmetic3A_652 = arith.shrsi %add3A_650, %shift_right_arithmetic3A_651 : i32
        %mul3A_653 = arith.constant 8 : i32
        %mul3A_654 = arith.muli %shift_right_arithmetic3A_652, %mul3A_653 : i32
        %broadcast_in_dim3A_655 = vector.broadcast %mul3A_654 : i32 to vector<16xi32>
        %add3A_656 = arith.addi %broadcast_in_dim3A_655, %and3A_9 : vector<16xi32>
        %and3A_657 = arith.constant 127 : i32
        %and3A_658 = arith.andi %add3A_650, %and3A_657 : i32
        %broadcast_in_dim3A_659 = vector.broadcast %and3A_658 : i32 to vector<16xi32>
        %get3A_660 = arith.constant 0 : i32
        %get3A_661 = arith.index_cast %get3A_660 : i32 to index
        %get3A_662 = arith.index_cast %add3A_650 : i32 to index
        %get3A_663 = arith.constant 0 : index
        %get3A_664 = tpu.vector_load %arg6[%get3A_661, %get3A_662, %get3A_663] {strides = array<i32>} : memref<2x512x32xf32, #tpu.memory_space<vmem>>, vector<16xf32>,
        %get3A_665 = arith.constant 0 : i32
        %get3A_666 = arith.index_cast %get3A_665 : i32 to index
        %get3A_667 = arith.index_cast %add3A_650 : i32 to index
        %get3A_668 = arith.constant 16 : index
        %get3A_669 = tpu.vector_load %arg6[%get3A_666, %get3A_667, %get3A_668] {strides = array<i32>} : memref<2x512x32xf32, #tpu.memory_space<vmem>>, vector<16xf32>,
        %scatter3A_670 = arith.constant 0 : i32
        %scatter3A_671 = arith.constant 0 : i32
        %scatter3A_672 = arith.constant 0 : i32
        %scatter3A_673 = tpu.memref_slice %arg7[%scan3A_182, %scatter3A_670, %scatter3A_671, %scatter3A_672] : memref<2x4x32x130xf32, #tpu.memory_space<vmem>> -> memref<1x4x32x130xf32, #tpu.memory_space<vmem>>
        %scatter3A_674 = tpu.memref_squeeze %scatter3A_673 : memref<1x4x32x130xf32, #tpu.memory_space<vmem>> -> memref<4x32x130xf32, #tpu.memory_space<vmem>>
        tpu.vector_store_idx %scatter3A_674[%shift_right_arithmetic3A_4, %add3A_656, %broadcast_in_dim3A_659], %get3A_664 : memref<4x32x130xf32, #tpu.memory_space<vmem>>[vector<16xi32>, vector<16xi32>, vector<16xi32>], vector<16xf32>,
        %scatter3A_675 = arith.constant 0 : i32
        %scatter3A_676 = arith.constant 0 : i32
        %scatter3A_677 = arith.constant 0 : i32
        %scatter3A_678 = tpu.memref_slice %arg7[%scan3A_182, %scatter3A_675, %scatter3A_676, %scatter3A_677] : memref<2x4x32x130xf32, #tpu.memory_space<vmem>> -> memref<1x4x32x130xf32, #tpu.memory_space<vmem>>
        %scatter3A_679 = tpu.memref_squeeze %scatter3A_678 : memref<1x4x32x130xf32, #tpu.memory_space<vmem>> -> memref<4x32x130xf32, #tpu.memory_space<vmem>>
        tpu.vector_store_idx %scatter3A_679[%add3A_7, %add3A_656, %broadcast_in_dim3A_659], %get3A_669 : memref<4x32x130xf32, #tpu.memory_space<vmem>>[vector<16xi32>, vector<16xi32>, vector<16xi32>], vector<16xf32>,
        %mul3A_680 = arith.constant 8 : i32
        %mul3A_681 = arith.muli %scan3A_484, %mul3A_680 : i32
        %add3A_682 = arith.constant 6 : i32
        %add3A_683 = arith.addi %mul3A_681, %add3A_682 : i32
        %shift_right_arithmetic3A_684 = arith.constant 7 : i32
        %shift_right_arithmetic3A_685 = arith.shrsi %add3A_683, %shift_right_arithmetic3A_684 : i32
        %mul3A_686 = arith.constant 8 : i32
        %mul3A_687 = arith.muli %shift_right_arithmetic3A_685, %mul3A_686 : i32
        %broadcast_in_dim3A_688 = vector.broadcast %mul3A_687 : i32 to vector<16xi32>
        %add3A_689 = arith.addi %broadcast_in_dim3A_688, %and3A_9 : vector<16xi32>
        %and3A_690 = arith.constant 127 : i32
        %and3A_691 = arith.andi %add3A_683, %and3A_690 : i32
        %broadcast_in_dim3A_692 = vector.broadcast %and3A_691 : i32 to vector<16xi32>
        %get3A_693 = arith.constant 0 : i32
        %get3A_694 = arith.index_cast %get3A_693 : i32 to index
        %get3A_695 = arith.index_cast %add3A_683 : i32 to index
        %get3A_696 = arith.constant 0 : index
        %get3A_697 = tpu.vector_load %arg6[%get3A_694, %get3A_695, %get3A_696] {strides = array<i32>} : memref<2x512x32xf32, #tpu.memory_space<vmem>>, vector<16xf32>,
        %get3A_698 = arith.constant 0 : i32
        %get3A_699 = arith.index_cast %get3A_698 : i32 to index
        %get3A_700 = arith.index_cast %add3A_683 : i32 to index
        %get3A_701 = arith.constant 16 : index
        %get3A_702 = tpu.vector_load %arg6[%get3A_699, %get3A_700, %get3A_701] {strides = array<i32>} : memref<2x512x32xf32, #tpu.memory_space<vmem>>, vector<16xf32>,
        %scatter3A_703 = arith.constant 0 : i32
        %scatter3A_704 = arith.constant 0 : i32
        %scatter3A_705 = arith.constant 0 : i32
        %scatter3A_706 = tpu.memref_slice %arg7[%scan3A_182, %scatter3A_703, %scatter3A_704, %scatter3A_705] : memref<2x4x32x130xf32, #tpu.memory_space<vmem>> -> memref<1x4x32x130xf32, #tpu.memory_space<vmem>>
        %scatter3A_707 = tpu.memref_squeeze %scatter3A_706 : memref<1x4x32x130xf32, #tpu.memory_space<vmem>> -> memref<4x32x130xf32, #tpu.memory_space<vmem>>
        tpu.vector_store_idx %scatter3A_707[%shift_right_arithmetic3A_4, %add3A_689, %broadcast_in_dim3A_692], %get3A_697 : memref<4x32x130xf32, #tpu.memory_space<vmem>>[vector<16xi32>, vector<16xi32>, vector<16xi32>], vector<16xf32>,
        %scatter3A_708 = arith.constant 0 : i32
        %scatter3A_709 = arith.constant 0 : i32
        %scatter3A_710 = arith.constant 0 : i32
        %scatter3A_711 = tpu.memref_slice %arg7[%scan3A_182, %scatter3A_708, %scatter3A_709, %scatter3A_710] : memref<2x4x32x130xf32, #tpu.memory_space<vmem>> -> memref<1x4x32x130xf32, #tpu.memory_space<vmem>>
        %scatter3A_712 = tpu.memref_squeeze %scatter3A_711 : memref<1x4x32x130xf32, #tpu.memory_space<vmem>> -> memref<4x32x130xf32, #tpu.memory_space<vmem>>
        tpu.vector_store_idx %scatter3A_712[%add3A_7, %add3A_689, %broadcast_in_dim3A_692], %get3A_702 : memref<4x32x130xf32, #tpu.memory_space<vmem>>[vector<16xi32>, vector<16xi32>, vector<16xi32>], vector<16xf32>,
        %mul3A_713 = arith.constant 8 : i32
        %mul3A_714 = arith.muli %scan3A_484, %mul3A_713 : i32
        %add3A_715 = arith.constant 7 : i32
        %add3A_716 = arith.addi %mul3A_714, %add3A_715 : i32
        %shift_right_arithmetic3A_717 = arith.constant 7 : i32
        %shift_right_arithmetic3A_718 = arith.shrsi %add3A_716, %shift_right_arithmetic3A_717 : i32
        %mul3A_719 = arith.constant 8 : i32
        %mul3A_720 = arith.muli %shift_right_arithmetic3A_718, %mul3A_719 : i32
        %broadcast_in_dim3A_721 = vector.broadcast %mul3A_720 : i32 to vector<16xi32>
        %add3A_722 = arith.addi %broadcast_in_dim3A_721, %and3A_9 : vector<16xi32>
        %and3A_723 = arith.constant 127 : i32
        %and3A_724 = arith.andi %add3A_716, %and3A_723 : i32
        %broadcast_in_dim3A_725 = vector.broadcast %and3A_724 : i32 to vector<16xi32>
        %get3A_726 = arith.constant 0 : i32
        %get3A_727 = arith.index_cast %get3A_726 : i32 to index
        %get3A_728 = arith.index_cast %add3A_716 : i32 to index
        %get3A_729 = arith.constant 0 : index
        %get3A_730 = tpu.vector_load %arg6[%get3A_727, %get3A_728, %get3A_729] {strides = array<i32>} : memref<2x512x32xf32, #tpu.memory_space<vmem>>, vector<16xf32>,
        %get3A_731 = arith.constant 0 : i32
        %get3A_732 = arith.index_cast %get3A_731 : i32 to index
        %get3A_733 = arith.index_cast %add3A_716 : i32 to index
        %get3A_734 = arith.constant 16 : index
        %get3A_735 = tpu.vector_load %arg6[%get3A_732, %get3A_733, %get3A_734] {strides = array<i32>} : memref<2x512x32xf32, #tpu.memory_space<vmem>>, vector<16xf32>,
        %scatter3A_736 = arith.constant 0 : i32
        %scatter3A_737 = arith.constant 0 : i32
        %scatter3A_738 = arith.constant 0 : i32
        %scatter3A_739 = tpu.memref_slice %arg7[%scan3A_182, %scatter3A_736, %scatter3A_737, %scatter3A_738] : memref<2x4x32x130xf32, #tpu.memory_space<vmem>> -> memref<1x4x32x130xf32, #tpu.memory_space<vmem>>
        %scatter3A_740 = tpu.memref_squeeze %scatter3A_739 : memref<1x4x32x130xf32, #tpu.memory_space<vmem>> -> memref<4x32x130xf32, #tpu.memory_space<vmem>>
        tpu.vector_store_idx %scatter3A_740[%shift_right_arithmetic3A_4, %add3A_722, %broadcast_in_dim3A_725], %get3A_730 : memref<4x32x130xf32, #tpu.memory_space<vmem>>[vector<16xi32>, vector<16xi32>, vector<16xi32>], vector<16xf32>,
        %scatter3A_741 = arith.constant 0 : i32
        %scatter3A_742 = arith.constant 0 : i32
        %scatter3A_743 = arith.constant 0 : i32
        %scatter3A_744 = tpu.memref_slice %arg7[%scan3A_182, %scatter3A_741, %scatter3A_742, %scatter3A_743] : memref<2x4x32x130xf32, #tpu.memory_space<vmem>> -> memref<1x4x32x130xf32, #tpu.memory_space<vmem>>
        %scatter3A_745 = tpu.memref_squeeze %scatter3A_744 : memref<1x4x32x130xf32, #tpu.memory_space<vmem>> -> memref<4x32x130xf32, #tpu.memory_space<vmem>>
        tpu.vector_store_idx %scatter3A_745[%add3A_7, %add3A_722, %broadcast_in_dim3A_725], %get3A_735 : memref<4x32x130xf32, #tpu.memory_space<vmem>>[vector<16xi32>, vector<16xi32>, vector<16xi32>], vector<16xf32>,
      }
      %scan3A_187 = arith.constant 64 : i32
      %add3A_188 = arith.addi %mul3A_2, %add3A_157 : i32
      %jit3A = arith.constant 32 : i32
      %div3A = arith.divsi %add3A_188, %jit3A : i32
      %sign3A = arith.constant 0 : i32
      %sign3A_189 = arith.cmpi sgt, %add3A_188, %sign3A : i32
      %sign3A_190 = arith.extui %sign3A_189 : i1 to i32
      %sign3A_191 = arith.constant 0 : i32
      %sign3A_192 = arith.cmpi slt, %add3A_188, %sign3A_191 : i32
      %sign3A_193 = arith.extui %sign3A_192 : i1 to i32
      %sign3A_194 = arith.subi %sign3A_190, %sign3A_193 : i32
      %sign3A_195 = arith.constant 0 : i32
      %sign3A_196 = arith.cmpi sgt, %jit3A, %sign3A_195 : i32
      %sign3A_197 = arith.extui %sign3A_196 : i1 to i32
      %sign3A_198 = arith.constant 0 : i32
      %sign3A_199 = arith.cmpi slt, %jit3A, %sign3A_198 : i32
      %sign3A_200 = arith.extui %sign3A_199 : i1 to i32
      %sign3A_201 = arith.subi %sign3A_197, %sign3A_200 : i32
      %ne3A = arith.cmpi ne, %sign3A_194, %sign3A_201 : i32
      %rem3A = arith.remsi %add3A_188, %jit3A : i32
      %ne3A_202 = arith.constant 0 : i32
      %ne3A_203 = arith.cmpi ne, %rem3A, %ne3A_202 : i32
      %and3A_204 = arith.andi %ne3A, %ne3A_203 : i1
      %sub3A = arith.constant 1 : i32
      %sub3A_205 = arith.subi %div3A, %sub3A : i32
      %select_n3A = arith.select %and3A_204, %sub3A_205, %div3A : i32
      %jit3A_206 = arith.constant 32 : i32
      %eq3A = arith.constant 0 : i32
      %eq3A_207 = arith.cmpi eq, %jit3A_206, %eq3A : i32
      %jit3A_208 = arith.constant 1 : i32
      %select_n3A_209 = arith.select %eq3A_207, %jit3A_208, %jit3A_206 : i32
      %rem3A_210 = arith.remsi %add3A_188, %select_n3A_209 : i32
      %ne3A_211 = arith.constant 0 : i32
      %ne3A_212 = arith.cmpi ne, %rem3A_210, %ne3A_211 : i32
      %lt3A_213 = arith.constant 0 : i32
      %lt3A_214 = arith.cmpi slt, %rem3A_210, %lt3A_213 : i32
      %lt3A_215 = arith.constant 0 : i32
      %lt3A_216 = arith.cmpi slt, %select_n3A_209, %lt3A_215 : i32
      %ne3A_217 = arith.xori %lt3A_214, %lt3A_216 : i1
      %and3A_218 = arith.andi %ne3A_217, %ne3A_212 : i1
      %add3A_219 = arith.addi %rem3A_210, %select_n3A_209 : i32
      %select_n3A_220 = arith.select %and3A_218, %add3A_219, %rem3A_210 : i32
      %mul3A_221 = arith.constant 4 : i32
      %mul3A_222 = arith.muli %select_n3A, %mul3A_221 : i32
      %add3A_223 = arith.constant 0 : i32
      %add3A_224 = arith.addi %mul3A_222, %add3A_223 : i32
      %mul3A_225 = arith.constant 1024 : i32
      %mul3A_226 = arith.muli %add3A_224, %mul3A_225 : i32
      %mul3A_227 = arith.constant 32 : i32
      %mul3A_228 = arith.muli %select_n3A_220, %mul3A_227 : i32
      %add3A_229 = arith.addi %mul3A_226, %mul3A_228 : i32
      %dma_start3A_230 = arith.constant 0 : i32
      %dma_start3A_231 = arith.constant 0 : i32
      %dma_start3A_232 = arith.constant 0 : i32
      %dma_start3A_233 = arith.constant 0 : i32
      %dma_start3A_234 = tpu.memref_slice %arg7[%dma_start3A_230, %dma_start3A_231, %dma_start3A_232, %dma_start3A_233] : memref<2x4x32x130xf32, #tpu.memory_space<vmem>> -> memref<1x1x32x128xf32, #tpu.memory_space<vmem>>
      %dma_start3A_235 = tpu.memref_squeeze %dma_start3A_234 : memref<1x1x32x128xf32, #tpu.memory_space<vmem>> -> memref<32x128xf32, #tpu.memory_space<vmem>>
      %dma_start3A_236 = arith.constant 0 : i32
      %dma_start3A_237 = tpu.memref_slice %arg4[%add3A_229, %dma_start3A_236] : memref<204800x128xf32, #tpu.memory_space<hbm>> -> memref<32x128xf32, #tpu.memory_space<hbm>>
      %dma_start3A_238 = arith.constant 0 : i32
      %dma_start3A_239 = tpu.memref_slice %arg4[%add3A_229, %dma_start3A_238] : memref<204800x128xf32, #tpu.memory_space<hbm>> -> memref<32x128xf32, #tpu.memory_space<hbm>>
      %dma_start3A_240 = arith.constant 0 : i32
      %dma_start3A_241 = arith.constant 0 : i32
      %dma_start3A_242 = tpu.memref_slice %arg7[%dma_start3A_230, %dma_start3A_231, %dma_start3A_240, %dma_start3A_241] : memref<2x4x32x130xf32, #tpu.memory_space<vmem>> -> memref<1x1x32x128xf32, #tpu.memory_space<vmem>>
      %dma_start3A_243 = tpu.memref_squeeze %dma_start3A_242 : memref<1x1x32x128xf32, #tpu.memory_space<vmem>> -> memref<32x128xf32, #tpu.memory_space<vmem>>
      tpu.enqueue_dma source(%dma_start3A_243 : memref<32x128xf32, #tpu.memory_space<vmem>>) target(%dma_start3A_239 : memref<32x128xf32, #tpu.memory_space<hbm>>) target_semaphore(%arg10 : memref<!tpu.dma_semaphore, #tpu.memory_space<semaphore_mem>>)
      %mul3A_244 = arith.constant 4 : i32
      %mul3A_245 = arith.muli %select_n3A, %mul3A_244 : i32
      %add3A_246 = arith.constant 1 : i32
      %add3A_247 = arith.addi %mul3A_245, %add3A_246 : i32
      %mul3A_248 = arith.constant 1024 : i32
      %mul3A_249 = arith.muli %add3A_247, %mul3A_248 : i32
      %mul3A_250 = arith.constant 32 : i32
      %mul3A_251 = arith.muli %select_n3A_220, %mul3A_250 : i32
      %add3A_252 = arith.addi %mul3A_249, %mul3A_251 : i32
      %dma_start3A_253 = arith.constant 0 : i32
      %dma_start3A_254 = arith.constant 1 : i32
      %dma_start3A_255 = arith.constant 0 : i32
      %dma_start3A_256 = arith.constant 0 : i32
      %dma_start3A_257 = tpu.memref_slice %arg7[%dma_start3A_253, %dma_start3A_254, %dma_start3A_255, %dma_start3A_256] : memref<2x4x32x130xf32, #tpu.memory_space<vmem>> -> memref<1x1x32x128xf32, #tpu.memory_space<vmem>>
      %dma_start3A_258 = tpu.memref_squeeze %dma_start3A_257 : memref<1x1x32x128xf32, #tpu.memory_space<vmem>> -> memref<32x128xf32, #tpu.memory_space<vmem>>
      %dma_start3A_259 = arith.constant 0 : i32
      %dma_start3A_260 = tpu.memref_slice %arg4[%add3A_252, %dma_start3A_259] : memref<204800x128xf32, #tpu.memory_space<hbm>> -> memref<32x128xf32, #tpu.memory_space<hbm>>
      %dma_start3A_261 = arith.constant 0 : i32
      %dma_start3A_262 = tpu.memref_slice %arg4[%add3A_252, %dma_start3A_261] : memref<204800x128xf32, #tpu.memory_space<hbm>> -> memref<32x128xf32, #tpu.memory_space<hbm>>
      %dma_start3A_263 = arith.constant 0 : i32
      %dma_start3A_264 = arith.constant 0 : i32
      %dma_start3A_265 = tpu.memref_slice %arg7[%dma_start3A_253, %dma_start3A_254, %dma_start3A_263, %dma_start3A_264] : memref<2x4x32x130xf32, #tpu.memory_space<vmem>> -> memref<1x1x32x128xf32, #tpu.memory_space<vmem>>
      %dma_start3A_266 = tpu.memref_squeeze %dma_start3A_265 : memref<1x1x32x128xf32, #tpu.memory_space<vmem>> -> memref<32x128xf32, #tpu.memory_space<vmem>>
      tpu.enqueue_dma source(%dma_start3A_266 : memref<32x128xf32, #tpu.memory_space<vmem>>) target(%dma_start3A_262 : memref<32x128xf32, #tpu.memory_space<hbm>>) target_semaphore(%arg10 : memref<!tpu.dma_semaphore, #tpu.memory_space<semaphore_mem>>)
      %mul3A_267 = arith.constant 4 : i32
      %mul3A_268 = arith.muli %select_n3A, %mul3A_267 : i32
      %add3A_269 = arith.constant 2 : i32
      %add3A_270 = arith.addi %mul3A_268, %add3A_269 : i32
      %mul3A_271 = arith.constant 1024 : i32
      %mul3A_272 = arith.muli %add3A_270, %mul3A_271 : i32
      %mul3A_273 = arith.constant 32 : i32
      %mul3A_274 = arith.muli %select_n3A_220, %mul3A_273 : i32
      %add3A_275 = arith.addi %mul3A_272, %mul3A_274 : i32
      %dma_start3A_276 = arith.constant 0 : i32
      %dma_start3A_277 = arith.constant 2 : i32
      %dma_start3A_278 = arith.constant 0 : i32
      %dma_start3A_279 = arith.constant 0 : i32
      %dma_start3A_280 = tpu.memref_slice %arg7[%dma_start3A_276, %dma_start3A_277, %dma_start3A_278, %dma_start3A_279] : memref<2x4x32x130xf32, #tpu.memory_space<vmem>> -> memref<1x1x32x128xf32, #tpu.memory_space<vmem>>
      %dma_start3A_281 = tpu.memref_squeeze %dma_start3A_280 : memref<1x1x32x128xf32, #tpu.memory_space<vmem>> -> memref<32x128xf32, #tpu.memory_space<vmem>>
      %dma_start3A_282 = arith.constant 0 : i32
      %dma_start3A_283 = tpu.memref_slice %arg4[%add3A_275, %dma_start3A_282] : memref<204800x128xf32, #tpu.memory_space<hbm>> -> memref<32x128xf32, #tpu.memory_space<hbm>>
      %dma_start3A_284 = arith.constant 0 : i32
      %dma_start3A_285 = tpu.memref_slice %arg4[%add3A_275, %dma_start3A_284] : memref<204800x128xf32, #tpu.memory_space<hbm>> -> memref<32x128xf32, #tpu.memory_space<hbm>>
      %dma_start3A_286 = arith.constant 0 : i32
      %dma_start3A_287 = arith.constant 0 : i32
      %dma_start3A_288 = tpu.memref_slice %arg7[%dma_start3A_276, %dma_start3A_277, %dma_start3A_286, %dma_start3A_287] : memref<2x4x32x130xf32, #tpu.memory_space<vmem>> -> memref<1x1x32x128xf32, #tpu.memory_space<vmem>>
      %dma_start3A_289 = tpu.memref_squeeze %dma_start3A_288 : memref<1x1x32x128xf32, #tpu.memory_space<vmem>> -> memref<32x128xf32, #tpu.memory_space<vmem>>
      tpu.enqueue_dma source(%dma_start3A_289 : memref<32x128xf32, #tpu.memory_space<vmem>>) target(%dma_start3A_285 : memref<32x128xf32, #tpu.memory_space<hbm>>) target_semaphore(%arg10 : memref<!tpu.dma_semaphore, #tpu.memory_space<semaphore_mem>>)
      %mul3A_290 = arith.constant 4 : i32
      %mul3A_291 = arith.muli %select_n3A, %mul3A_290 : i32
      %add3A_292 = arith.constant 3 : i32
      %add3A_293 = arith.addi %mul3A_291, %add3A_292 : i32
      %mul3A_294 = arith.constant 1024 : i32
      %mul3A_295 = arith.muli %add3A_293, %mul3A_294 : i32
      %mul3A_296 = arith.constant 32 : i32
      %mul3A_297 = arith.muli %select_n3A_220, %mul3A_296 : i32
      %add3A_298 = arith.addi %mul3A_295, %mul3A_297 : i32
      %dma_start3A_299 = arith.constant 0 : i32
      %dma_start3A_300 = arith.constant 3 : i32
      %dma_start3A_301 = arith.constant 0 : i32
      %dma_start3A_302 = arith.constant 0 : i32
      %dma_start3A_303 = tpu.memref_slice %arg7[%dma_start3A_299, %dma_start3A_300, %dma_start3A_301, %dma_start3A_302] : memref<2x4x32x130xf32, #tpu.memory_space<vmem>> -> memref<1x1x32x128xf32, #tpu.memory_space<vmem>>
      %dma_start3A_304 = tpu.memref_squeeze %dma_start3A_303 : memref<1x1x32x128xf32, #tpu.memory_space<vmem>> -> memref<32x128xf32, #tpu.memory_space<vmem>>
      %dma_start3A_305 = arith.constant 0 : i32
      %dma_start3A_306 = tpu.memref_slice %arg4[%add3A_298, %dma_start3A_305] : memref<204800x128xf32, #tpu.memory_space<hbm>> -> memref<32x128xf32, #tpu.memory_space<hbm>>
      %dma_start3A_307 = arith.constant 0 : i32
      %dma_start3A_308 = tpu.memref_slice %arg4[%add3A_298, %dma_start3A_307] : memref<204800x128xf32, #tpu.memory_space<hbm>> -> memref<32x128xf32, #tpu.memory_space<hbm>>
      %dma_start3A_309 = arith.constant 0 : i32
      %dma_start3A_310 = arith.constant 0 : i32
      %dma_start3A_311 = tpu.memref_slice %arg7[%dma_start3A_299, %dma_start3A_300, %dma_start3A_309, %dma_start3A_310] : memref<2x4x32x130xf32, #tpu.memory_space<vmem>> -> memref<1x1x32x128xf32, #tpu.memory_space<vmem>>
      %dma_start3A_312 = tpu.memref_squeeze %dma_start3A_311 : memref<1x1x32x128xf32, #tpu.memory_space<vmem>> -> memref<32x128xf32, #tpu.memory_space<vmem>>
      tpu.enqueue_dma source(%dma_start3A_312 : memref<32x128xf32, #tpu.memory_space<vmem>>) target(%dma_start3A_308 : memref<32x128xf32, #tpu.memory_space<hbm>>) target_semaphore(%arg10 : memref<!tpu.dma_semaphore, #tpu.memory_space<semaphore_mem>>)
      %mul3A_313 = arith.constant 2 : i32
      %mul3A_314 = arith.muli %mul3A_313, %scan3A_153 : i32
      %add3A_315 = arith.constant 1 : i32
      %add3A_316 = arith.addi %mul3A_314, %add3A_315 : i32
      %add3A_317 = arith.constant 1 : i32
      %add3A_318 = arith.addi %add3A_316, %add3A_317 : i32
      %lt3A_319 = arith.constant 50 : i32
      %lt3A_320 = arith.cmpi slt, %add3A_318, %lt3A_319 : i32
      %convert_element_type3A_321 = arith.extui %lt3A_320 : i1 to i32
      %cond3A_322 = arith.constant 0 : i32
      %cond3A_323 = arith.cmpi ne, %convert_element_type3A_321, %cond3A_322 : i32
      scf.if %cond3A_323 {
        %add3A_484 = arith.constant 1 : i32
        %add3A_485 = arith.addi %add3A_316, %add3A_484 : i32
        %mul3A_486 = arith.constant 512 : i32
        %mul3A_487 = arith.muli %add3A_485, %mul3A_486 : i32
        %dma_start3A_488 = arith.constant 0 : i32
        %dma_start3A_489 = arith.constant 0 : i32
        %dma_start3A_490 = arith.constant 0 : i32
        %dma_start3A_491 = tpu.memref_slice %arg6[%dma_start3A_488, %dma_start3A_489, %dma_start3A_490] : memref<2x512x32xf32, #tpu.memory_space<vmem>> -> memref<1x512x32xf32, #tpu.memory_space<vmem>>
        %dma_start3A_492 = tpu.memref_squeeze %dma_start3A_491 : memref<1x512x32xf32, #tpu.memory_space<vmem>> -> memref<512x32xf32, #tpu.memory_space<vmem>>
        %dma_start3A_493 = tpu.memref_slice %arg5[%mul3A_487] : memref<25600xi32, #tpu.memory_space<vmem>> -> memref<512xi32, #tpu.memory_space<vmem>>
        %dma_start3A_494 = arith.constant 0 : i32
        %dma_start3A_495 = arith.constant 0 : i32
        %dma_start3A_496 = tpu.memref_slice %arg3[%dma_start3A_494, %dma_start3A_495] : memref<1000000x32xf32, #tpu.memory_space<hbm>> -> memref<1000000x32xf32, #tpu.memory_space<hbm>>
        tpu.enqueue_indirect_dma source(%dma_start3A_496 : memref<1000000x32xf32, #tpu.memory_space<hbm>>) target(%dma_start3A_492 : memref<512x32xf32, #tpu.memory_space<vmem>>) offsets(%dma_start3A_493 : memref<512xi32, #tpu.memory_space<vmem>>) semaphore(%arg8 : memref<!tpu.dma_semaphore, #tpu.memory_space<semaphore_mem>>)
      } else {
      }
      %dma_wait3A_324 = arith.constant 1 : i32
      %dma_wait3A_325 = arith.constant 0 : i32
      %dma_wait3A_326 = arith.constant 0 : i32
      %dma_wait3A_327 = tpu.memref_slice %arg6[%dma_wait3A_324, %dma_wait3A_325, %dma_wait3A_326] : memref<2x512x32xf32, #tpu.memory_space<vmem>> -> memref<1x512x32xf32, #tpu.memory_space<vmem>>
      %dma_wait3A_328 = tpu.memref_squeeze %dma_wait3A_327 : memref<1x512x32xf32, #tpu.memory_space<vmem>> -> memref<512x32xf32, #tpu.memory_space<vmem>>
      %dma_wait3A_329 = arith.constant 0 : i32
      %dma_wait3A_330 = arith.constant 0 : i32
      %dma_wait3A_331 = tpu.memref_slice %arg3[%dma_wait3A_329, %dma_wait3A_330] : memref<1000000x32xf32, #tpu.memory_space<hbm>> -> memref<512x32xf32, #tpu.memory_space<hbm>>
      %dma_wait3A_332 = arith.constant 0 : i32
      %dma_wait3A_333 = arith.constant 0 : i32
      %dma_wait3A_334 = tpu.memref_slice %arg6[%dma_wait3A_324, %dma_wait3A_332, %dma_wait3A_333] : memref<2x512x32xf32, #tpu.memory_space<vmem>> -> memref<1x512x32xf32, #tpu.memory_space<vmem>>
      %dma_wait3A_335 = tpu.memref_squeeze %dma_wait3A_334 : memref<1x512x32xf32, #tpu.memory_space<vmem>> -> memref<512x32xf32, #tpu.memory_space<vmem>>
      %dma_wait3A_336 = arith.constant 0 : i32
      %dma_wait3A_337 = arith.constant 0 : i32
      %dma_wait3A_338 = tpu.memref_slice %arg3[%dma_wait3A_336, %dma_wait3A_337] : memref<1000000x32xf32, #tpu.memory_space<hbm>> -> memref<512x32xf32, #tpu.memory_space<hbm>>
      tpu.wait_dma2 semaphore(%arg9 : memref<!tpu.dma_semaphore, #tpu.memory_space<semaphore_mem>>) src(%dma_wait3A_338 : memref<512x32xf32, #tpu.memory_space<hbm>>) dst(%dma_wait3A_335 : memref<512x32xf32, #tpu.memory_space<vmem>>)
      %gt3A_339 = arith.constant 1 : i32
      %gt3A_340 = arith.cmpi sgt, %add3A_316, %gt3A_339 : i32
      %convert_element_type3A_341 = arith.extui %gt3A_340 : i1 to i32
      %cond3A_342 = arith.constant 0 : i32
      %cond3A_343 = arith.cmpi ne, %convert_element_type3A_341, %cond3A_342 : i32
      scf.if %cond3A_343 {
        %dma_wait3A_484 = arith.constant 1 : i32
        %dma_wait3A_485 = arith.constant 0 : i32
        %dma_wait3A_486 = arith.constant 0 : i32
        %dma_wait3A_487 = arith.constant 0 : i32
        %dma_wait3A_488 = tpu.memref_slice %arg7[%dma_wait3A_484, %dma_wait3A_485, %dma_wait3A_486, %dma_wait3A_487] : memref<2x4x32x130xf32, #tpu.memory_space<vmem>> -> memref<1x1x32x128xf32, #tpu.memory_space<vmem>>
        %dma_wait3A_489 = tpu.memref_squeeze %dma_wait3A_488 : memref<1x1x32x128xf32, #tpu.memory_space<vmem>> -> memref<32x128xf32, #tpu.memory_space<vmem>>
        %dma_wait3A_490 = arith.constant 0 : i32
        %dma_wait3A_491 = arith.constant 0 : i32
        %dma_wait3A_492 = tpu.memref_slice %arg4[%dma_wait3A_490, %dma_wait3A_491] : memref<204800x128xf32, #tpu.memory_space<hbm>> -> memref<32x128xf32, #tpu.memory_space<hbm>>
        %dma_wait3A_493 = arith.constant 0 : i32
        %dma_wait3A_494 = arith.constant 0 : i32
        %dma_wait3A_495 = tpu.memref_slice %arg4[%dma_wait3A_493, %dma_wait3A_494] : memref<204800x128xf32, #tpu.memory_space<hbm>> -> memref<32x128xf32, #tpu.memory_space<hbm>>
        %dma_wait3A_496 = arith.constant 0 : i32
        %dma_wait3A_497 = arith.constant 0 : i32
        %dma_wait3A_498 = tpu.memref_slice %arg7[%dma_wait3A_484, %dma_wait3A_485, %dma_wait3A_496, %dma_wait3A_497] : memref<2x4x32x130xf32, #tpu.memory_space<vmem>> -> memref<1x1x32x128xf32, #tpu.memory_space<vmem>>
        %dma_wait3A_499 = tpu.memref_squeeze %dma_wait3A_498 : memref<1x1x32x128xf32, #tpu.memory_space<vmem>> -> memref<32x128xf32, #tpu.memory_space<vmem>>
        tpu.wait_dma2 semaphore(%arg11 : memref<!tpu.dma_semaphore, #tpu.memory_space<semaphore_mem>>) src(%dma_wait3A_499 : memref<32x128xf32, #tpu.memory_space<vmem>>) dst(%dma_wait3A_495 : memref<32x128xf32, #tpu.memory_space<hbm>>)
        %dma_wait3A_500 = arith.constant 1 : i32
        %dma_wait3A_501 = arith.constant 0 : i32
        %dma_wait3A_502 = arith.constant 0 : i32
        %dma_wait3A_503 = arith.constant 0 : i32
        %dma_wait3A_504 = tpu.memref_slice %arg7[%dma_wait3A_500, %dma_wait3A_501, %dma_wait3A_502, %dma_wait3A_503] : memref<2x4x32x130xf32, #tpu.memory_space<vmem>> -> memref<1x1x32x128xf32, #tpu.memory_space<vmem>>
        %dma_wait3A_505 = tpu.memref_squeeze %dma_wait3A_504 : memref<1x1x32x128xf32, #tpu.memory_space<vmem>> -> memref<32x128xf32, #tpu.memory_space<vmem>>
        %dma_wait3A_506 = arith.constant 0 : i32
        %dma_wait3A_507 = arith.constant 0 : i32
        %dma_wait3A_508 = tpu.memref_slice %arg4[%dma_wait3A_506, %dma_wait3A_507] : memref<204800x128xf32, #tpu.memory_space<hbm>> -> memref<32x128xf32, #tpu.memory_space<hbm>>
        %dma_wait3A_509 = arith.constant 0 : i32
        %dma_wait3A_510 = arith.constant 0 : i32
        %dma_wait3A_511 = tpu.memref_slice %arg4[%dma_wait3A_509, %dma_wait3A_510] : memref<204800x128xf32, #tpu.memory_space<hbm>> -> memref<32x128xf32, #tpu.memory_space<hbm>>
        %dma_wait3A_512 = arith.constant 0 : i32
        %dma_wait3A_513 = arith.constant 0 : i32
        %dma_wait3A_514 = tpu.memref_slice %arg7[%dma_wait3A_500, %dma_wait3A_501, %dma_wait3A_512, %dma_wait3A_513] : memref<2x4x32x130xf32, #tpu.memory_space<vmem>> -> memref<1x1x32x128xf32, #tpu.memory_space<vmem>>
        %dma_wait3A_515 = tpu.memref_squeeze %dma_wait3A_514 : memref<1x1x32x128xf32, #tpu.memory_space<vmem>> -> memref<32x128xf32, #tpu.memory_space<vmem>>
        tpu.wait_dma2 semaphore(%arg11 : memref<!tpu.dma_semaphore, #tpu.memory_space<semaphore_mem>>) src(%dma_wait3A_515 : memref<32x128xf32, #tpu.memory_space<vmem>>) dst(%dma_wait3A_511 : memref<32x128xf32, #tpu.memory_space<hbm>>)
        %dma_wait3A_516 = arith.constant 1 : i32
        %dma_wait3A_517 = arith.constant 0 : i32
        %dma_wait3A_518 = arith.constant 0 : i32
        %dma_wait3A_519 = arith.constant 0 : i32
        %dma_wait3A_520 = tpu.memref_slice %arg7[%dma_wait3A_516, %dma_wait3A_517, %dma_wait3A_518, %dma_wait3A_519] : memref<2x4x32x130xf32, #tpu.memory_space<vmem>> -> memref<1x1x32x128xf32, #tpu.memory_space<vmem>>
        %dma_wait3A_521 = tpu.memref_squeeze %dma_wait3A_520 : memref<1x1x32x128xf32, #tpu.memory_space<vmem>> -> memref<32x128xf32, #tpu.memory_space<vmem>>
        %dma_wait3A_522 = arith.constant 0 : i32
        %dma_wait3A_523 = arith.constant 0 : i32
        %dma_wait3A_524 = tpu.memref_slice %arg4[%dma_wait3A_522, %dma_wait3A_523] : memref<204800x128xf32, #tpu.memory_space<hbm>> -> memref<32x128xf32, #tpu.memory_space<hbm>>
        %dma_wait3A_525 = arith.constant 0 : i32
        %dma_wait3A_526 = arith.constant 0 : i32
        %dma_wait3A_527 = tpu.memref_slice %arg4[%dma_wait3A_525, %dma_wait3A_526] : memref<204800x128xf32, #tpu.memory_space<hbm>> -> memref<32x128xf32, #tpu.memory_space<hbm>>
        %dma_wait3A_528 = arith.constant 0 : i32
        %dma_wait3A_529 = arith.constant 0 : i32
        %dma_wait3A_530 = tpu.memref_slice %arg7[%dma_wait3A_516, %dma_wait3A_517, %dma_wait3A_528, %dma_wait3A_529] : memref<2x4x32x130xf32, #tpu.memory_space<vmem>> -> memref<1x1x32x128xf32, #tpu.memory_space<vmem>>
        %dma_wait3A_531 = tpu.memref_squeeze %dma_wait3A_530 : memref<1x1x32x128xf32, #tpu.memory_space<vmem>> -> memref<32x128xf32, #tpu.memory_space<vmem>>
        tpu.wait_dma2 semaphore(%arg11 : memref<!tpu.dma_semaphore, #tpu.memory_space<semaphore_mem>>) src(%dma_wait3A_531 : memref<32x128xf32, #tpu.memory_space<vmem>>) dst(%dma_wait3A_527 : memref<32x128xf32, #tpu.memory_space<hbm>>)
        %dma_wait3A_532 = arith.constant 1 : i32
        %dma_wait3A_533 = arith.constant 0 : i32
        %dma_wait3A_534 = arith.constant 0 : i32
        %dma_wait3A_535 = arith.constant 0 : i32
        %dma_wait3A_536 = tpu.memref_slice %arg7[%dma_wait3A_532, %dma_wait3A_533, %dma_wait3A_534, %dma_wait3A_535] : memref<2x4x32x130xf32, #tpu.memory_space<vmem>> -> memref<1x1x32x128xf32, #tpu.memory_space<vmem>>
        %dma_wait3A_537 = tpu.memref_squeeze %dma_wait3A_536 : memref<1x1x32x128xf32, #tpu.memory_space<vmem>> -> memref<32x128xf32, #tpu.memory_space<vmem>>
        %dma_wait3A_538 = arith.constant 0 : i32
        %dma_wait3A_539 = arith.constant 0 : i32
        %dma_wait3A_540 = tpu.memref_slice %arg4[%dma_wait3A_538, %dma_wait3A_539] : memref<204800x128xf32, #tpu.memory_space<hbm>> -> memref<32x128xf32, #tpu.memory_space<hbm>>
        %dma_wait3A_541 = arith.constant 0 : i32
        %dma_wait3A_542 = arith.constant 0 : i32
        %dma_wait3A_543 = tpu.memref_slice %arg4[%dma_wait3A_541, %dma_wait3A_542] : memref<204800x128xf32, #tpu.memory_space<hbm>> -> memref<32x128xf32, #tpu.memory_space<hbm>>
        %dma_wait3A_544 = arith.constant 0 : i32
        %dma_wait3A_545 = arith.constant 0 : i32
        %dma_wait3A_546 = tpu.memref_slice %arg7[%dma_wait3A_532, %dma_wait3A_533, %dma_wait3A_544, %dma_wait3A_545] : memref<2x4x32x130xf32, #tpu.memory_space<vmem>> -> memref<1x1x32x128xf32, #tpu.memory_space<vmem>>
        %dma_wait3A_547 = tpu.memref_squeeze %dma_wait3A_546 : memref<1x1x32x128xf32, #tpu.memory_space<vmem>> -> memref<32x128xf32, #tpu.memory_space<vmem>>
        tpu.wait_dma2 semaphore(%arg11 : memref<!tpu.dma_semaphore, #tpu.memory_space<semaphore_mem>>) src(%dma_wait3A_547 : memref<32x128xf32, #tpu.memory_space<vmem>>) dst(%dma_wait3A_543 : memref<32x128xf32, #tpu.memory_space<hbm>>)
      } else {
      }
      %scan3A_344 = arith.constant 0 : i32
      %scan3A_345 = arith.constant 1 : i32
      %scan3A_346 = arith.constant 0 : i32
      %scan3A_347 = arith.constant 64 : i32
      %scan3A_348 = arith.addi %scan3A_346, %scan3A_347 : i32
      %scan3A_349 = arith.constant 1 : i32
      scf.for %scan3A_484 = %scan3A_346 to %scan3A_348 step %scan3A_349  : i32 {
        %mul3A_485 = arith.constant 8 : i32
        %mul3A_486 = arith.muli %scan3A_484, %mul3A_485 : i32
        %add3A_487 = arith.constant 0 : i32
        %add3A_488 = arith.addi %mul3A_486, %add3A_487 : i32
        %shift_right_arithmetic3A_489 = arith.constant 7 : i32
        %shift_right_arithmetic3A_490 = arith.shrsi %add3A_488, %shift_right_arithmetic3A_489 : i32
        %mul3A_491 = arith.constant 8 : i32
        %mul3A_492 = arith.muli %shift_right_arithmetic3A_490, %mul3A_491 : i32
        %broadcast_in_dim3A = vector.broadcast %mul3A_492 : i32 to vector<16xi32>
        %add3A_493 = arith.addi %broadcast_in_dim3A, %and3A_9 : vector<16xi32>
        %and3A_494 = arith.constant 127 : i32
        %and3A_495 = arith.andi %add3A_488, %and3A_494 : i32
        %broadcast_in_dim3A_496 = vector.broadcast %and3A_495 : i32 to vector<16xi32>
        %get3A = arith.constant 1 : i32
        %get3A_497 = arith.index_cast %get3A : i32 to index
        %get3A_498 = arith.index_cast %add3A_488 : i32 to index
        %get3A_499 = arith.constant 0 : index
        %get3A_500 = tpu.vector_load %arg6[%get3A_497, %get3A_498, %get3A_499] {strides = array<i32>} : memref<2x512x32xf32, #tpu.memory_space<vmem>>, vector<16xf32>,
        %get3A_501 = arith.constant 1 : i32
        %get3A_502 = arith.index_cast %get3A_501 : i32 to index
        %get3A_503 = arith.index_cast %add3A_488 : i32 to index
        %get3A_504 = arith.constant 16 : index
        %get3A_505 = tpu.vector_load %arg6[%get3A_502, %get3A_503, %get3A_504] {strides = array<i32>} : memref<2x512x32xf32, #tpu.memory_space<vmem>>, vector<16xf32>,
        %scatter3A = arith.constant 0 : i32
        %scatter3A_506 = arith.constant 0 : i32
        %scatter3A_507 = arith.constant 0 : i32
        %scatter3A_508 = tpu.memref_slice %arg7[%scan3A_345, %scatter3A, %scatter3A_506, %scatter3A_507] : memref<2x4x32x130xf32, #tpu.memory_space<vmem>> -> memref<1x4x32x130xf32, #tpu.memory_space<vmem>>
        %scatter3A_509 = tpu.memref_squeeze %scatter3A_508 : memref<1x4x32x130xf32, #tpu.memory_space<vmem>> -> memref<4x32x130xf32, #tpu.memory_space<vmem>>
        tpu.vector_store_idx %scatter3A_509[%shift_right_arithmetic3A_4, %add3A_493, %broadcast_in_dim3A_496], %get3A_500 : memref<4x32x130xf32, #tpu.memory_space<vmem>>[vector<16xi32>, vector<16xi32>, vector<16xi32>], vector<16xf32>,
        %scatter3A_510 = arith.constant 0 : i32
        %scatter3A_511 = arith.constant 0 : i32
        %scatter3A_512 = arith.constant 0 : i32
        %scatter3A_513 = tpu.memref_slice %arg7[%scan3A_345, %scatter3A_510, %scatter3A_511, %scatter3A_512] : memref<2x4x32x130xf32, #tpu.memory_space<vmem>> -> memref<1x4x32x130xf32, #tpu.memory_space<vmem>>
        %scatter3A_514 = tpu.memref_squeeze %scatter3A_513 : memref<1x4x32x130xf32, #tpu.memory_space<vmem>> -> memref<4x32x130xf32, #tpu.memory_space<vmem>>
        tpu.vector_store_idx %scatter3A_514[%add3A_7, %add3A_493, %broadcast_in_dim3A_496], %get3A_505 : memref<4x32x130xf32, #tpu.memory_space<vmem>>[vector<16xi32>, vector<16xi32>, vector<16xi32>], vector<16xf32>,
        %mul3A_515 = arith.constant 8 : i32
        %mul3A_516 = arith.muli %scan3A_484, %mul3A_515 : i32
        %add3A_517 = arith.constant 1 : i32
        %add3A_518 = arith.addi %mul3A_516, %add3A_517 : i32
        %shift_right_arithmetic3A_519 = arith.constant 7 : i32
        %shift_right_arithmetic3A_520 = arith.shrsi %add3A_518, %shift_right_arithmetic3A_519 : i32
        %mul3A_521 = arith.constant 8 : i32
        %mul3A_522 = arith.muli %shift_right_arithmetic3A_520, %mul3A_521 : i32
        %broadcast_in_dim3A_523 = vector.broadcast %mul3A_522 : i32 to vector<16xi32>
        %add3A_524 = arith.addi %broadcast_in_dim3A_523, %and3A_9 : vector<16xi32>
        %and3A_525 = arith.constant 127 : i32
        %and3A_526 = arith.andi %add3A_518, %and3A_525 : i32
        %broadcast_in_dim3A_527 = vector.broadcast %and3A_526 : i32 to vector<16xi32>
        %get3A_528 = arith.constant 1 : i32
        %get3A_529 = arith.index_cast %get3A_528 : i32 to index
        %get3A_530 = arith.index_cast %add3A_518 : i32 to index
        %get3A_531 = arith.constant 0 : index
        %get3A_532 = tpu.vector_load %arg6[%get3A_529, %get3A_530, %get3A_531] {strides = array<i32>} : memref<2x512x32xf32, #tpu.memory_space<vmem>>, vector<16xf32>,
        %get3A_533 = arith.constant 1 : i32
        %get3A_534 = arith.index_cast %get3A_533 : i32 to index
        %get3A_535 = arith.index_cast %add3A_518 : i32 to index
        %get3A_536 = arith.constant 16 : index
        %get3A_537 = tpu.vector_load %arg6[%get3A_534, %get3A_535, %get3A_536] {strides = array<i32>} : memref<2x512x32xf32, #tpu.memory_space<vmem>>, vector<16xf32>,
        %scatter3A_538 = arith.constant 0 : i32
        %scatter3A_539 = arith.constant 0 : i32
        %scatter3A_540 = arith.constant 0 : i32
        %scatter3A_541 = tpu.memref_slice %arg7[%scan3A_345, %scatter3A_538, %scatter3A_539, %scatter3A_540] : memref<2x4x32x130xf32, #tpu.memory_space<vmem>> -> memref<1x4x32x130xf32, #tpu.memory_space<vmem>>
        %scatter3A_542 = tpu.memref_squeeze %scatter3A_541 : memref<1x4x32x130xf32, #tpu.memory_space<vmem>> -> memref<4x32x130xf32, #tpu.memory_space<vmem>>
        tpu.vector_store_idx %scatter3A_542[%shift_right_arithmetic3A_4, %add3A_524, %broadcast_in_dim3A_527], %get3A_532 : memref<4x32x130xf32, #tpu.memory_space<vmem>>[vector<16xi32>, vector<16xi32>, vector<16xi32>], vector<16xf32>,
        %scatter3A_543 = arith.constant 0 : i32
        %scatter3A_544 = arith.constant 0 : i32
        %scatter3A_545 = arith.constant 0 : i32
        %scatter3A_546 = tpu.memref_slice %arg7[%scan3A_345, %scatter3A_543, %scatter3A_544, %scatter3A_545] : memref<2x4x32x130xf32, #tpu.memory_space<vmem>> -> memref<1x4x32x130xf32, #tpu.memory_space<vmem>>
        %scatter3A_547 = tpu.memref_squeeze %scatter3A_546 : memref<1x4x32x130xf32, #tpu.memory_space<vmem>> -> memref<4x32x130xf32, #tpu.memory_space<vmem>>
        tpu.vector_store_idx %scatter3A_547[%add3A_7, %add3A_524, %broadcast_in_dim3A_527], %get3A_537 : memref<4x32x130xf32, #tpu.memory_space<vmem>>[vector<16xi32>, vector<16xi32>, vector<16xi32>], vector<16xf32>,
        %mul3A_548 = arith.constant 8 : i32
        %mul3A_549 = arith.muli %scan3A_484, %mul3A_548 : i32
        %add3A_550 = arith.constant 2 : i32
        %add3A_551 = arith.addi %mul3A_549, %add3A_550 : i32
        %shift_right_arithmetic3A_552 = arith.constant 7 : i32
        %shift_right_arithmetic3A_553 = arith.shrsi %add3A_551, %shift_right_arithmetic3A_552 : i32
        %mul3A_554 = arith.constant 8 : i32
        %mul3A_555 = arith.muli %shift_right_arithmetic3A_553, %mul3A_554 : i32
        %broadcast_in_dim3A_556 = vector.broadcast %mul3A_555 : i32 to vector<16xi32>
        %add3A_557 = arith.addi %broadcast_in_dim3A_556, %and3A_9 : vector<16xi32>
        %and3A_558 = arith.constant 127 : i32
        %and3A_559 = arith.andi %add3A_551, %and3A_558 : i32
        %broadcast_in_dim3A_560 = vector.broadcast %and3A_559 : i32 to vector<16xi32>
        %get3A_561 = arith.constant 1 : i32
        %get3A_562 = arith.index_cast %get3A_561 : i32 to index
        %get3A_563 = arith.index_cast %add3A_551 : i32 to index
        %get3A_564 = arith.constant 0 : index
        %get3A_565 = tpu.vector_load %arg6[%get3A_562, %get3A_563, %get3A_564] {strides = array<i32>} : memref<2x512x32xf32, #tpu.memory_space<vmem>>, vector<16xf32>,
        %get3A_566 = arith.constant 1 : i32
        %get3A_567 = arith.index_cast %get3A_566 : i32 to index
        %get3A_568 = arith.index_cast %add3A_551 : i32 to index
        %get3A_569 = arith.constant 16 : index
        %get3A_570 = tpu.vector_load %arg6[%get3A_567, %get3A_568, %get3A_569] {strides = array<i32>} : memref<2x512x32xf32, #tpu.memory_space<vmem>>, vector<16xf32>,
        %scatter3A_571 = arith.constant 0 : i32
        %scatter3A_572 = arith.constant 0 : i32
        %scatter3A_573 = arith.constant 0 : i32
        %scatter3A_574 = tpu.memref_slice %arg7[%scan3A_345, %scatter3A_571, %scatter3A_572, %scatter3A_573] : memref<2x4x32x130xf32, #tpu.memory_space<vmem>> -> memref<1x4x32x130xf32, #tpu.memory_space<vmem>>
        %scatter3A_575 = tpu.memref_squeeze %scatter3A_574 : memref<1x4x32x130xf32, #tpu.memory_space<vmem>> -> memref<4x32x130xf32, #tpu.memory_space<vmem>>
        tpu.vector_store_idx %scatter3A_575[%shift_right_arithmetic3A_4, %add3A_557, %broadcast_in_dim3A_560], %get3A_565 : memref<4x32x130xf32, #tpu.memory_space<vmem>>[vector<16xi32>, vector<16xi32>, vector<16xi32>], vector<16xf32>,
        %scatter3A_576 = arith.constant 0 : i32
        %scatter3A_577 = arith.constant 0 : i32
        %scatter3A_578 = arith.constant 0 : i32
        %scatter3A_579 = tpu.memref_slice %arg7[%scan3A_345, %scatter3A_576, %scatter3A_577, %scatter3A_578] : memref<2x4x32x130xf32, #tpu.memory_space<vmem>> -> memref<1x4x32x130xf32, #tpu.memory_space<vmem>>
        %scatter3A_580 = tpu.memref_squeeze %scatter3A_579 : memref<1x4x32x130xf32, #tpu.memory_space<vmem>> -> memref<4x32x130xf32, #tpu.memory_space<vmem>>
        tpu.vector_store_idx %scatter3A_580[%add3A_7, %add3A_557, %broadcast_in_dim3A_560], %get3A_570 : memref<4x32x130xf32, #tpu.memory_space<vmem>>[vector<16xi32>, vector<16xi32>, vector<16xi32>], vector<16xf32>,
        %mul3A_581 = arith.constant 8 : i32
        %mul3A_582 = arith.muli %scan3A_484, %mul3A_581 : i32
        %add3A_583 = arith.constant 3 : i32
        %add3A_584 = arith.addi %mul3A_582, %add3A_583 : i32
        %shift_right_arithmetic3A_585 = arith.constant 7 : i32
        %shift_right_arithmetic3A_586 = arith.shrsi %add3A_584, %shift_right_arithmetic3A_585 : i32
        %mul3A_587 = arith.constant 8 : i32
        %mul3A_588 = arith.muli %shift_right_arithmetic3A_586, %mul3A_587 : i32
        %broadcast_in_dim3A_589 = vector.broadcast %mul3A_588 : i32 to vector<16xi32>
        %add3A_590 = arith.addi %broadcast_in_dim3A_589, %and3A_9 : vector<16xi32>
        %and3A_591 = arith.constant 127 : i32
        %and3A_592 = arith.andi %add3A_584, %and3A_591 : i32
        %broadcast_in_dim3A_593 = vector.broadcast %and3A_592 : i32 to vector<16xi32>
        %get3A_594 = arith.constant 1 : i32
        %get3A_595 = arith.index_cast %get3A_594 : i32 to index
        %get3A_596 = arith.index_cast %add3A_584 : i32 to index
        %get3A_597 = arith.constant 0 : index
        %get3A_598 = tpu.vector_load %arg6[%get3A_595, %get3A_596, %get3A_597] {strides = array<i32>} : memref<2x512x32xf32, #tpu.memory_space<vmem>>, vector<16xf32>,
        %get3A_599 = arith.constant 1 : i32
        %get3A_600 = arith.index_cast %get3A_599 : i32 to index
        %get3A_601 = arith.index_cast %add3A_584 : i32 to index
        %get3A_602 = arith.constant 16 : index
        %get3A_603 = tpu.vector_load %arg6[%get3A_600, %get3A_601, %get3A_602] {strides = array<i32>} : memref<2x512x32xf32, #tpu.memory_space<vmem>>, vector<16xf32>,
        %scatter3A_604 = arith.constant 0 : i32
        %scatter3A_605 = arith.constant 0 : i32
        %scatter3A_606 = arith.constant 0 : i32
        %scatter3A_607 = tpu.memref_slice %arg7[%scan3A_345, %scatter3A_604, %scatter3A_605, %scatter3A_606] : memref<2x4x32x130xf32, #tpu.memory_space<vmem>> -> memref<1x4x32x130xf32, #tpu.memory_space<vmem>>
        %scatter3A_608 = tpu.memref_squeeze %scatter3A_607 : memref<1x4x32x130xf32, #tpu.memory_space<vmem>> -> memref<4x32x130xf32, #tpu.memory_space<vmem>>
        tpu.vector_store_idx %scatter3A_608[%shift_right_arithmetic3A_4, %add3A_590, %broadcast_in_dim3A_593], %get3A_598 : memref<4x32x130xf32, #tpu.memory_space<vmem>>[vector<16xi32>, vector<16xi32>, vector<16xi32>], vector<16xf32>,
        %scatter3A_609 = arith.constant 0 : i32
        %scatter3A_610 = arith.constant 0 : i32
        %scatter3A_611 = arith.constant 0 : i32
        %scatter3A_612 = tpu.memref_slice %arg7[%scan3A_345, %scatter3A_609, %scatter3A_610, %scatter3A_611] : memref<2x4x32x130xf32, #tpu.memory_space<vmem>> -> memref<1x4x32x130xf32, #tpu.memory_space<vmem>>
        %scatter3A_613 = tpu.memref_squeeze %scatter3A_612 : memref<1x4x32x130xf32, #tpu.memory_space<vmem>> -> memref<4x32x130xf32, #tpu.memory_space<vmem>>
        tpu.vector_store_idx %scatter3A_613[%add3A_7, %add3A_590, %broadcast_in_dim3A_593], %get3A_603 : memref<4x32x130xf32, #tpu.memory_space<vmem>>[vector<16xi32>, vector<16xi32>, vector<16xi32>], vector<16xf32>,
        %mul3A_614 = arith.constant 8 : i32
        %mul3A_615 = arith.muli %scan3A_484, %mul3A_614 : i32
        %add3A_616 = arith.constant 4 : i32
        %add3A_617 = arith.addi %mul3A_615, %add3A_616 : i32
        %shift_right_arithmetic3A_618 = arith.constant 7 : i32
        %shift_right_arithmetic3A_619 = arith.shrsi %add3A_617, %shift_right_arithmetic3A_618 : i32
        %mul3A_620 = arith.constant 8 : i32
        %mul3A_621 = arith.muli %shift_right_arithmetic3A_619, %mul3A_620 : i32
        %broadcast_in_dim3A_622 = vector.broadcast %mul3A_621 : i32 to vector<16xi32>
        %add3A_623 = arith.addi %broadcast_in_dim3A_622, %and3A_9 : vector<16xi32>
        %and3A_624 = arith.constant 127 : i32
        %and3A_625 = arith.andi %add3A_617, %and3A_624 : i32
        %broadcast_in_dim3A_626 = vector.broadcast %and3A_625 : i32 to vector<16xi32>
        %get3A_627 = arith.constant 1 : i32
        %get3A_628 = arith.index_cast %get3A_627 : i32 to index
        %get3A_629 = arith.index_cast %add3A_617 : i32 to index
        %get3A_630 = arith.constant 0 : index
        %get3A_631 = tpu.vector_load %arg6[%get3A_628, %get3A_629, %get3A_630] {strides = array<i32>} : memref<2x512x32xf32, #tpu.memory_space<vmem>>, vector<16xf32>,
        %get3A_632 = arith.constant 1 : i32
        %get3A_633 = arith.index_cast %get3A_632 : i32 to index
        %get3A_634 = arith.index_cast %add3A_617 : i32 to index
        %get3A_635 = arith.constant 16 : index
        %get3A_636 = tpu.vector_load %arg6[%get3A_633, %get3A_634, %get3A_635] {strides = array<i32>} : memref<2x512x32xf32, #tpu.memory_space<vmem>>, vector<16xf32>,
        %scatter3A_637 = arith.constant 0 : i32
        %scatter3A_638 = arith.constant 0 : i32
        %scatter3A_639 = arith.constant 0 : i32
        %scatter3A_640 = tpu.memref_slice %arg7[%scan3A_345, %scatter3A_637, %scatter3A_638, %scatter3A_639] : memref<2x4x32x130xf32, #tpu.memory_space<vmem>> -> memref<1x4x32x130xf32, #tpu.memory_space<vmem>>
        %scatter3A_641 = tpu.memref_squeeze %scatter3A_640 : memref<1x4x32x130xf32, #tpu.memory_space<vmem>> -> memref<4x32x130xf32, #tpu.memory_space<vmem>>
        tpu.vector_store_idx %scatter3A_641[%shift_right_arithmetic3A_4, %add3A_623, %broadcast_in_dim3A_626], %get3A_631 : memref<4x32x130xf32, #tpu.memory_space<vmem>>[vector<16xi32>, vector<16xi32>, vector<16xi32>], vector<16xf32>,
        %scatter3A_642 = arith.constant 0 : i32
        %scatter3A_643 = arith.constant 0 : i32
        %scatter3A_644 = arith.constant 0 : i32
        %scatter3A_645 = tpu.memref_slice %arg7[%scan3A_345, %scatter3A_642, %scatter3A_643, %scatter3A_644] : memref<2x4x32x130xf32, #tpu.memory_space<vmem>> -> memref<1x4x32x130xf32, #tpu.memory_space<vmem>>
        %scatter3A_646 = tpu.memref_squeeze %scatter3A_645 : memref<1x4x32x130xf32, #tpu.memory_space<vmem>> -> memref<4x32x130xf32, #tpu.memory_space<vmem>>
        tpu.vector_store_idx %scatter3A_646[%add3A_7, %add3A_623, %broadcast_in_dim3A_626], %get3A_636 : memref<4x32x130xf32, #tpu.memory_space<vmem>>[vector<16xi32>, vector<16xi32>, vector<16xi32>], vector<16xf32>,
        %mul3A_647 = arith.constant 8 : i32
        %mul3A_648 = arith.muli %scan3A_484, %mul3A_647 : i32
        %add3A_649 = arith.constant 5 : i32
        %add3A_650 = arith.addi %mul3A_648, %add3A_649 : i32
        %shift_right_arithmetic3A_651 = arith.constant 7 : i32
        %shift_right_arithmetic3A_652 = arith.shrsi %add3A_650, %shift_right_arithmetic3A_651 : i32
        %mul3A_653 = arith.constant 8 : i32
        %mul3A_654 = arith.muli %shift_right_arithmetic3A_652, %mul3A_653 : i32
        %broadcast_in_dim3A_655 = vector.broadcast %mul3A_654 : i32 to vector<16xi32>
        %add3A_656 = arith.addi %broadcast_in_dim3A_655, %and3A_9 : vector<16xi32>
        %and3A_657 = arith.constant 127 : i32
        %and3A_658 = arith.andi %add3A_650, %and3A_657 : i32
        %broadcast_in_dim3A_659 = vector.broadcast %and3A_658 : i32 to vector<16xi32>
        %get3A_660 = arith.constant 1 : i32
        %get3A_661 = arith.index_cast %get3A_660 : i32 to index
        %get3A_662 = arith.index_cast %add3A_650 : i32 to index
        %get3A_663 = arith.constant 0 : index
        %get3A_664 = tpu.vector_load %arg6[%get3A_661, %get3A_662, %get3A_663] {strides = array<i32>} : memref<2x512x32xf32, #tpu.memory_space<vmem>>, vector<16xf32>,
        %get3A_665 = arith.constant 1 : i32
        %get3A_666 = arith.index_cast %get3A_665 : i32 to index
        %get3A_667 = arith.index_cast %add3A_650 : i32 to index
        %get3A_668 = arith.constant 16 : index
        %get3A_669 = tpu.vector_load %arg6[%get3A_666, %get3A_667, %get3A_668] {strides = array<i32>} : memref<2x512x32xf32, #tpu.memory_space<vmem>>, vector<16xf32>,
        %scatter3A_670 = arith.constant 0 : i32
        %scatter3A_671 = arith.constant 0 : i32
        %scatter3A_672 = arith.constant 0 : i32
        %scatter3A_673 = tpu.memref_slice %arg7[%scan3A_345, %scatter3A_670, %scatter3A_671, %scatter3A_672] : memref<2x4x32x130xf32, #tpu.memory_space<vmem>> -> memref<1x4x32x130xf32, #tpu.memory_space<vmem>>
        %scatter3A_674 = tpu.memref_squeeze %scatter3A_673 : memref<1x4x32x130xf32, #tpu.memory_space<vmem>> -> memref<4x32x130xf32, #tpu.memory_space<vmem>>
        tpu.vector_store_idx %scatter3A_674[%shift_right_arithmetic3A_4, %add3A_656, %broadcast_in_dim3A_659], %get3A_664 : memref<4x32x130xf32, #tpu.memory_space<vmem>>[vector<16xi32>, vector<16xi32>, vector<16xi32>], vector<16xf32>,
        %scatter3A_675 = arith.constant 0 : i32
        %scatter3A_676 = arith.constant 0 : i32
        %scatter3A_677 = arith.constant 0 : i32
        %scatter3A_678 = tpu.memref_slice %arg7[%scan3A_345, %scatter3A_675, %scatter3A_676, %scatter3A_677] : memref<2x4x32x130xf32, #tpu.memory_space<vmem>> -> memref<1x4x32x130xf32, #tpu.memory_space<vmem>>
        %scatter3A_679 = tpu.memref_squeeze %scatter3A_678 : memref<1x4x32x130xf32, #tpu.memory_space<vmem>> -> memref<4x32x130xf32, #tpu.memory_space<vmem>>
        tpu.vector_store_idx %scatter3A_679[%add3A_7, %add3A_656, %broadcast_in_dim3A_659], %get3A_669 : memref<4x32x130xf32, #tpu.memory_space<vmem>>[vector<16xi32>, vector<16xi32>, vector<16xi32>], vector<16xf32>,
        %mul3A_680 = arith.constant 8 : i32
        %mul3A_681 = arith.muli %scan3A_484, %mul3A_680 : i32
        %add3A_682 = arith.constant 6 : i32
        %add3A_683 = arith.addi %mul3A_681, %add3A_682 : i32
        %shift_right_arithmetic3A_684 = arith.constant 7 : i32
        %shift_right_arithmetic3A_685 = arith.shrsi %add3A_683, %shift_right_arithmetic3A_684 : i32
        %mul3A_686 = arith.constant 8 : i32
        %mul3A_687 = arith.muli %shift_right_arithmetic3A_685, %mul3A_686 : i32
        %broadcast_in_dim3A_688 = vector.broadcast %mul3A_687 : i32 to vector<16xi32>
        %add3A_689 = arith.addi %broadcast_in_dim3A_688, %and3A_9 : vector<16xi32>
        %and3A_690 = arith.constant 127 : i32
        %and3A_691 = arith.andi %add3A_683, %and3A_690 : i32
        %broadcast_in_dim3A_692 = vector.broadcast %and3A_691 : i32 to vector<16xi32>
        %get3A_693 = arith.constant 1 : i32
        %get3A_694 = arith.index_cast %get3A_693 : i32 to index
        %get3A_695 = arith.index_cast %add3A_683 : i32 to index
        %get3A_696 = arith.constant 0 : index
        %get3A_697 = tpu.vector_load %arg6[%get3A_694, %get3A_695, %get3A_696] {strides = array<i32>} : memref<2x512x32xf32, #tpu.memory_space<vmem>>, vector<16xf32>,
        %get3A_698 = arith.constant 1 : i32
        %get3A_699 = arith.index_cast %get3A_698 : i32 to index
        %get3A_700 = arith.index_cast %add3A_683 : i32 to index
        %get3A_701 = arith.constant 16 : index
        %get3A_702 = tpu.vector_load %arg6[%get3A_699, %get3A_700, %get3A_701] {strides = array<i32>} : memref<2x512x32xf32, #tpu.memory_space<vmem>>, vector<16xf32>,
        %scatter3A_703 = arith.constant 0 : i32
        %scatter3A_704 = arith.constant 0 : i32
        %scatter3A_705 = arith.constant 0 : i32
        %scatter3A_706 = tpu.memref_slice %arg7[%scan3A_345, %scatter3A_703, %scatter3A_704, %scatter3A_705] : memref<2x4x32x130xf32, #tpu.memory_space<vmem>> -> memref<1x4x32x130xf32, #tpu.memory_space<vmem>>
        %scatter3A_707 = tpu.memref_squeeze %scatter3A_706 : memref<1x4x32x130xf32, #tpu.memory_space<vmem>> -> memref<4x32x130xf32, #tpu.memory_space<vmem>>
        tpu.vector_store_idx %scatter3A_707[%shift_right_arithmetic3A_4, %add3A_689, %broadcast_in_dim3A_692], %get3A_697 : memref<4x32x130xf32, #tpu.memory_space<vmem>>[vector<16xi32>, vector<16xi32>, vector<16xi32>], vector<16xf32>,
        %scatter3A_708 = arith.constant 0 : i32
        %scatter3A_709 = arith.constant 0 : i32
        %scatter3A_710 = arith.constant 0 : i32
        %scatter3A_711 = tpu.memref_slice %arg7[%scan3A_345, %scatter3A_708, %scatter3A_709, %scatter3A_710] : memref<2x4x32x130xf32, #tpu.memory_space<vmem>> -> memref<1x4x32x130xf32, #tpu.memory_space<vmem>>
        %scatter3A_712 = tpu.memref_squeeze %scatter3A_711 : memref<1x4x32x130xf32, #tpu.memory_space<vmem>> -> memref<4x32x130xf32, #tpu.memory_space<vmem>>
        tpu.vector_store_idx %scatter3A_712[%add3A_7, %add3A_689, %broadcast_in_dim3A_692], %get3A_702 : memref<4x32x130xf32, #tpu.memory_space<vmem>>[vector<16xi32>, vector<16xi32>, vector<16xi32>], vector<16xf32>,
        %mul3A_713 = arith.constant 8 : i32
        %mul3A_714 = arith.muli %scan3A_484, %mul3A_713 : i32
        %add3A_715 = arith.constant 7 : i32
        %add3A_716 = arith.addi %mul3A_714, %add3A_715 : i32
        %shift_right_arithmetic3A_717 = arith.constant 7 : i32
        %shift_right_arithmetic3A_718 = arith.shrsi %add3A_716, %shift_right_arithmetic3A_717 : i32
        %mul3A_719 = arith.constant 8 : i32
        %mul3A_720 = arith.muli %shift_right_arithmetic3A_718, %mul3A_719 : i32
        %broadcast_in_dim3A_721 = vector.broadcast %mul3A_720 : i32 to vector<16xi32>
        %add3A_722 = arith.addi %broadcast_in_dim3A_721, %and3A_9 : vector<16xi32>
        %and3A_723 = arith.constant 127 : i32
        %and3A_724 = arith.andi %add3A_716, %and3A_723 : i32
        %broadcast_in_dim3A_725 = vector.broadcast %and3A_724 : i32 to vector<16xi32>
        %get3A_726 = arith.constant 1 : i32
        %get3A_727 = arith.index_cast %get3A_726 : i32 to index
        %get3A_728 = arith.index_cast %add3A_716 : i32 to index
        %get3A_729 = arith.constant 0 : index
        %get3A_730 = tpu.vector_load %arg6[%get3A_727, %get3A_728, %get3A_729] {strides = array<i32>} : memref<2x512x32xf32, #tpu.memory_space<vmem>>, vector<16xf32>,
        %get3A_731 = arith.constant 1 : i32
        %get3A_732 = arith.index_cast %get3A_731 : i32 to index
        %get3A_733 = arith.index_cast %add3A_716 : i32 to index
        %get3A_734 = arith.constant 16 : index
        %get3A_735 = tpu.vector_load %arg6[%get3A_732, %get3A_733, %get3A_734] {strides = array<i32>} : memref<2x512x32xf32, #tpu.memory_space<vmem>>, vector<16xf32>,
        %scatter3A_736 = arith.constant 0 : i32
        %scatter3A_737 = arith.constant 0 : i32
        %scatter3A_738 = arith.constant 0 : i32
        %scatter3A_739 = tpu.memref_slice %arg7[%scan3A_345, %scatter3A_736, %scatter3A_737, %scatter3A_738] : memref<2x4x32x130xf32, #tpu.memory_space<vmem>> -> memref<1x4x32x130xf32, #tpu.memory_space<vmem>>
        %scatter3A_740 = tpu.memref_squeeze %scatter3A_739 : memref<1x4x32x130xf32, #tpu.memory_space<vmem>> -> memref<4x32x130xf32, #tpu.memory_space<vmem>>
        tpu.vector_store_idx %scatter3A_740[%shift_right_arithmetic3A_4, %add3A_722, %broadcast_in_dim3A_725], %get3A_730 : memref<4x32x130xf32, #tpu.memory_space<vmem>>[vector<16xi32>, vector<16xi32>, vector<16xi32>], vector<16xf32>,
        %scatter3A_741 = arith.constant 0 : i32
        %scatter3A_742 = arith.constant 0 : i32
        %scatter3A_743 = arith.constant 0 : i32
        %scatter3A_744 = tpu.memref_slice %arg7[%scan3A_345, %scatter3A_741, %scatter3A_742, %scatter3A_743] : memref<2x4x32x130xf32, #tpu.memory_space<vmem>> -> memref<1x4x32x130xf32, #tpu.memory_space<vmem>>
        %scatter3A_745 = tpu.memref_squeeze %scatter3A_744 : memref<1x4x32x130xf32, #tpu.memory_space<vmem>> -> memref<4x32x130xf32, #tpu.memory_space<vmem>>
        tpu.vector_store_idx %scatter3A_745[%add3A_7, %add3A_722, %broadcast_in_dim3A_725], %get3A_735 : memref<4x32x130xf32, #tpu.memory_space<vmem>>[vector<16xi32>, vector<16xi32>, vector<16xi32>], vector<16xf32>,
      }
      %scan3A_350 = arith.constant 64 : i32
      %add3A_351 = arith.addi %mul3A_2, %add3A_316 : i32
      %jit3A_352 = arith.constant 32 : i32
      %div3A_353 = arith.divsi %add3A_351, %jit3A_352 : i32
      %sign3A_354 = arith.constant 0 : i32
      %sign3A_355 = arith.cmpi sgt, %add3A_351, %sign3A_354 : i32
      %sign3A_356 = arith.extui %sign3A_355 : i1 to i32
      %sign3A_357 = arith.constant 0 : i32
      %sign3A_358 = arith.cmpi slt, %add3A_351, %sign3A_357 : i32
      %sign3A_359 = arith.extui %sign3A_358 : i1 to i32
      %sign3A_360 = arith.subi %sign3A_356, %sign3A_359 : i32
      %sign3A_361 = arith.constant 0 : i32
      %sign3A_362 = arith.cmpi sgt, %jit3A_352, %sign3A_361 : i32
      %sign3A_363 = arith.extui %sign3A_362 : i1 to i32
      %sign3A_364 = arith.constant 0 : i32
      %sign3A_365 = arith.cmpi slt, %jit3A_352, %sign3A_364 : i32
      %sign3A_366 = arith.extui %sign3A_365 : i1 to i32
      %sign3A_367 = arith.subi %sign3A_363, %sign3A_366 : i32
      %ne3A_368 = arith.cmpi ne, %sign3A_360, %sign3A_367 : i32
      %rem3A_369 = arith.remsi %add3A_351, %jit3A_352 : i32
      %ne3A_370 = arith.constant 0 : i32
      %ne3A_371 = arith.cmpi ne, %rem3A_369, %ne3A_370 : i32
      %and3A_372 = arith.andi %ne3A_368, %ne3A_371 : i1
      %sub3A_373 = arith.constant 1 : i32
      %sub3A_374 = arith.subi %div3A_353, %sub3A_373 : i32
      %select_n3A_375 = arith.select %and3A_372, %sub3A_374, %div3A_353 : i32
      %jit3A_376 = arith.constant 32 : i32
      %eq3A_377 = arith.constant 0 : i32
      %eq3A_378 = arith.cmpi eq, %jit3A_376, %eq3A_377 : i32
      %jit3A_379 = arith.constant 1 : i32
      %select_n3A_380 = arith.select %eq3A_378, %jit3A_379, %jit3A_376 : i32
      %rem3A_381 = arith.remsi %add3A_351, %select_n3A_380 : i32
      %ne3A_382 = arith.constant 0 : i32
      %ne3A_383 = arith.cmpi ne, %rem3A_381, %ne3A_382 : i32
      %lt3A_384 = arith.constant 0 : i32
      %lt3A_385 = arith.cmpi slt, %rem3A_381, %lt3A_384 : i32
      %lt3A_386 = arith.constant 0 : i32
      %lt3A_387 = arith.cmpi slt, %select_n3A_380, %lt3A_386 : i32
      %ne3A_388 = arith.xori %lt3A_385, %lt3A_387 : i1
      %and3A_389 = arith.andi %ne3A_388, %ne3A_383 : i1
      %add3A_390 = arith.addi %rem3A_381, %select_n3A_380 : i32
      %select_n3A_391 = arith.select %and3A_389, %add3A_390, %rem3A_381 : i32
      %mul3A_392 = arith.constant 4 : i32
      %mul3A_393 = arith.muli %select_n3A_375, %mul3A_392 : i32
      %add3A_394 = arith.constant 0 : i32
      %add3A_395 = arith.addi %mul3A_393, %add3A_394 : i32
      %mul3A_396 = arith.constant 1024 : i32
      %mul3A_397 = arith.muli %add3A_395, %mul3A_396 : i32
      %mul3A_398 = arith.constant 32 : i32
      %mul3A_399 = arith.muli %select_n3A_391, %mul3A_398 : i32
      %add3A_400 = arith.addi %mul3A_397, %mul3A_399 : i32
      %dma_start3A_401 = arith.constant 1 : i32
      %dma_start3A_402 = arith.constant 0 : i32
      %dma_start3A_403 = arith.constant 0 : i32
      %dma_start3A_404 = arith.constant 0 : i32
      %dma_start3A_405 = tpu.memref_slice %arg7[%dma_start3A_401, %dma_start3A_402, %dma_start3A_403, %dma_start3A_404] : memref<2x4x32x130xf32, #tpu.memory_space<vmem>> -> memref<1x1x32x128xf32, #tpu.memory_space<vmem>>
      %dma_start3A_406 = tpu.memref_squeeze %dma_start3A_405 : memref<1x1x32x128xf32, #tpu.memory_space<vmem>> -> memref<32x128xf32, #tpu.memory_space<vmem>>
      %dma_start3A_407 = arith.constant 0 : i32
      %dma_start3A_408 = tpu.memref_slice %arg4[%add3A_400, %dma_start3A_407] : memref<204800x128xf32, #tpu.memory_space<hbm>> -> memref<32x128xf32, #tpu.memory_space<hbm>>
      %dma_start3A_409 = arith.constant 0 : i32
      %dma_start3A_410 = tpu.memref_slice %arg4[%add3A_400, %dma_start3A_409] : memref<204800x128xf32, #tpu.memory_space<hbm>> -> memref<32x128xf32, #tpu.memory_space<hbm>>
      %dma_start3A_411 = arith.constant 0 : i32
      %dma_start3A_412 = arith.constant 0 : i32
      %dma_start3A_413 = tpu.memref_slice %arg7[%dma_start3A_401, %dma_start3A_402, %dma_start3A_411, %dma_start3A_412] : memref<2x4x32x130xf32, #tpu.memory_space<vmem>> -> memref<1x1x32x128xf32, #tpu.memory_space<vmem>>
      %dma_start3A_414 = tpu.memref_squeeze %dma_start3A_413 : memref<1x1x32x128xf32, #tpu.memory_space<vmem>> -> memref<32x128xf32, #tpu.memory_space<vmem>>
      tpu.enqueue_dma source(%dma_start3A_414 : memref<32x128xf32, #tpu.memory_space<vmem>>) target(%dma_start3A_410 : memref<32x128xf32, #tpu.memory_space<hbm>>) target_semaphore(%arg11 : memref<!tpu.dma_semaphore, #tpu.memory_space<semaphore_mem>>)
      %mul3A_415 = arith.constant 4 : i32
      %mul3A_416 = arith.muli %select_n3A_375, %mul3A_415 : i32
      %add3A_417 = arith.constant 1 : i32
      %add3A_418 = arith.addi %mul3A_416, %add3A_417 : i32
      %mul3A_419 = arith.constant 1024 : i32
      %mul3A_420 = arith.muli %add3A_418, %mul3A_419 : i32
      %mul3A_421 = arith.constant 32 : i32
      %mul3A_422 = arith.muli %select_n3A_391, %mul3A_421 : i32
      %add3A_423 = arith.addi %mul3A_420, %mul3A_422 : i32
      %dma_start3A_424 = arith.constant 1 : i32
      %dma_start3A_425 = arith.constant 1 : i32
      %dma_start3A_426 = arith.constant 0 : i32
      %dma_start3A_427 = arith.constant 0 : i32
      %dma_start3A_428 = tpu.memref_slice %arg7[%dma_start3A_424, %dma_start3A_425, %dma_start3A_426, %dma_start3A_427] : memref<2x4x32x130xf32, #tpu.memory_space<vmem>> -> memref<1x1x32x128xf32, #tpu.memory_space<vmem>>
      %dma_start3A_429 = tpu.memref_squeeze %dma_start3A_428 : memref<1x1x32x128xf32, #tpu.memory_space<vmem>> -> memref<32x128xf32, #tpu.memory_space<vmem>>
      %dma_start3A_430 = arith.constant 0 : i32
      %dma_start3A_431 = tpu.memref_slice %arg4[%add3A_423, %dma_start3A_430] : memref<204800x128xf32, #tpu.memory_space<hbm>> -> memref<32x128xf32, #tpu.memory_space<hbm>>
      %dma_start3A_432 = arith.constant 0 : i32
      %dma_start3A_433 = tpu.memref_slice %arg4[%add3A_423, %dma_start3A_432] : memref<204800x128xf32, #tpu.memory_space<hbm>> -> memref<32x128xf32, #tpu.memory_space<hbm>>
      %dma_start3A_434 = arith.constant 0 : i32
      %dma_start3A_435 = arith.constant 0 : i32
      %dma_start3A_436 = tpu.memref_slice %arg7[%dma_start3A_424, %dma_start3A_425, %dma_start3A_434, %dma_start3A_435] : memref<2x4x32x130xf32, #tpu.memory_space<vmem>> -> memref<1x1x32x128xf32, #tpu.memory_space<vmem>>
      %dma_start3A_437 = tpu.memref_squeeze %dma_start3A_436 : memref<1x1x32x128xf32, #tpu.memory_space<vmem>> -> memref<32x128xf32, #tpu.memory_space<vmem>>
      tpu.enqueue_dma source(%dma_start3A_437 : memref<32x128xf32, #tpu.memory_space<vmem>>) target(%dma_start3A_433 : memref<32x128xf32, #tpu.memory_space<hbm>>) target_semaphore(%arg11 : memref<!tpu.dma_semaphore, #tpu.memory_space<semaphore_mem>>)
      %mul3A_438 = arith.constant 4 : i32
      %mul3A_439 = arith.muli %select_n3A_375, %mul3A_438 : i32
      %add3A_440 = arith.constant 2 : i32
      %add3A_441 = arith.addi %mul3A_439, %add3A_440 : i32
      %mul3A_442 = arith.constant 1024 : i32
      %mul3A_443 = arith.muli %add3A_441, %mul3A_442 : i32
      %mul3A_444 = arith.constant 32 : i32
      %mul3A_445 = arith.muli %select_n3A_391, %mul3A_444 : i32
      %add3A_446 = arith.addi %mul3A_443, %mul3A_445 : i32
      %dma_start3A_447 = arith.constant 1 : i32
      %dma_start3A_448 = arith.constant 2 : i32
      %dma_start3A_449 = arith.constant 0 : i32
      %dma_start3A_450 = arith.constant 0 : i32
      %dma_start3A_451 = tpu.memref_slice %arg7[%dma_start3A_447, %dma_start3A_448, %dma_start3A_449, %dma_start3A_450] : memref<2x4x32x130xf32, #tpu.memory_space<vmem>> -> memref<1x1x32x128xf32, #tpu.memory_space<vmem>>
      %dma_start3A_452 = tpu.memref_squeeze %dma_start3A_451 : memref<1x1x32x128xf32, #tpu.memory_space<vmem>> -> memref<32x128xf32, #tpu.memory_space<vmem>>
      %dma_start3A_453 = arith.constant 0 : i32
      %dma_start3A_454 = tpu.memref_slice %arg4[%add3A_446, %dma_start3A_453] : memref<204800x128xf32, #tpu.memory_space<hbm>> -> memref<32x128xf32, #tpu.memory_space<hbm>>
      %dma_start3A_455 = arith.constant 0 : i32
      %dma_start3A_456 = tpu.memref_slice %arg4[%add3A_446, %dma_start3A_455] : memref<204800x128xf32, #tpu.memory_space<hbm>> -> memref<32x128xf32, #tpu.memory_space<hbm>>
      %dma_start3A_457 = arith.constant 0 : i32
      %dma_start3A_458 = arith.constant 0 : i32
      %dma_start3A_459 = tpu.memref_slice %arg7[%dma_start3A_447, %dma_start3A_448, %dma_start3A_457, %dma_start3A_458] : memref<2x4x32x130xf32, #tpu.memory_space<vmem>> -> memref<1x1x32x128xf32, #tpu.memory_space<vmem>>
      %dma_start3A_460 = tpu.memref_squeeze %dma_start3A_459 : memref<1x1x32x128xf32, #tpu.memory_space<vmem>> -> memref<32x128xf32, #tpu.memory_space<vmem>>
      tpu.enqueue_dma source(%dma_start3A_460 : memref<32x128xf32, #tpu.memory_space<vmem>>) target(%dma_start3A_456 : memref<32x128xf32, #tpu.memory_space<hbm>>) target_semaphore(%arg11 : memref<!tpu.dma_semaphore, #tpu.memory_space<semaphore_mem>>)
      %mul3A_461 = arith.constant 4 : i32
      %mul3A_462 = arith.muli %select_n3A_375, %mul3A_461 : i32
      %add3A_463 = arith.constant 3 : i32
      %add3A_464 = arith.addi %mul3A_462, %add3A_463 : i32
      %mul3A_465 = arith.constant 1024 : i32
      %mul3A_466 = arith.muli %add3A_464, %mul3A_465 : i32
      %mul3A_467 = arith.constant 32 : i32
      %mul3A_468 = arith.muli %select_n3A_391, %mul3A_467 : i32
      %add3A_469 = arith.addi %mul3A_466, %mul3A_468 : i32
      %dma_start3A_470 = arith.constant 1 : i32
      %dma_start3A_471 = arith.constant 3 : i32
      %dma_start3A_472 = arith.constant 0 : i32
      %dma_start3A_473 = arith.constant 0 : i32
      %dma_start3A_474 = tpu.memref_slice %arg7[%dma_start3A_470, %dma_start3A_471, %dma_start3A_472, %dma_start3A_473] : memref<2x4x32x130xf32, #tpu.memory_space<vmem>> -> memref<1x1x32x128xf32, #tpu.memory_space<vmem>>
      %dma_start3A_475 = tpu.memref_squeeze %dma_start3A_474 : memref<1x1x32x128xf32, #tpu.memory_space<vmem>> -> memref<32x128xf32, #tpu.memory_space<vmem>>
      %dma_start3A_476 = arith.constant 0 : i32
      %dma_start3A_477 = tpu.memref_slice %arg4[%add3A_469, %dma_start3A_476] : memref<204800x128xf32, #tpu.memory_space<hbm>> -> memref<32x128xf32, #tpu.memory_space<hbm>>
      %dma_start3A_478 = arith.constant 0 : i32
      %dma_start3A_479 = tpu.memref_slice %arg4[%add3A_469, %dma_start3A_478] : memref<204800x128xf32, #tpu.memory_space<hbm>> -> memref<32x128xf32, #tpu.memory_space<hbm>>
      %dma_start3A_480 = arith.constant 0 : i32
      %dma_start3A_481 = arith.constant 0 : i32
      %dma_start3A_482 = tpu.memref_slice %arg7[%dma_start3A_470, %dma_start3A_471, %dma_start3A_480, %dma_start3A_481] : memref<2x4x32x130xf32, #tpu.memory_space<vmem>> -> memref<1x1x32x128xf32, #tpu.memory_space<vmem>>
      %dma_start3A_483 = tpu.memref_squeeze %dma_start3A_482 : memref<1x1x32x128xf32, #tpu.memory_space<vmem>> -> memref<32x128xf32, #tpu.memory_space<vmem>>
      tpu.enqueue_dma source(%dma_start3A_483 : memref<32x128xf32, #tpu.memory_space<vmem>>) target(%dma_start3A_479 : memref<32x128xf32, #tpu.memory_space<hbm>>) target_semaphore(%arg11 : memref<!tpu.dma_semaphore, #tpu.memory_space<semaphore_mem>>)
    }
    %scan3A_25 = arith.constant 25 : i32
    %dma_wait3A = arith.constant 0 : i32
    %dma_wait3A_26 = arith.constant 0 : i32
    %dma_wait3A_27 = arith.constant 0 : i32
    %dma_wait3A_28 = arith.constant 0 : i32
    %dma_wait3A_29 = tpu.memref_slice %arg7[%dma_wait3A, %dma_wait3A_26, %dma_wait3A_27, %dma_wait3A_28] : memref<2x4x32x130xf32, #tpu.memory_space<vmem>> -> memref<1x1x32x128xf32, #tpu.memory_space<vmem>>
    %dma_wait3A_30 = tpu.memref_squeeze %dma_wait3A_29 : memref<1x1x32x128xf32, #tpu.memory_space<vmem>> -> memref<32x128xf32, #tpu.memory_space<vmem>>
    %dma_wait3A_31 = arith.constant 0 : i32
    %dma_wait3A_32 = arith.constant 0 : i32
    %dma_wait3A_33 = tpu.memref_slice %arg4[%dma_wait3A_31, %dma_wait3A_32] : memref<204800x128xf32, #tpu.memory_space<hbm>> -> memref<32x128xf32, #tpu.memory_space<hbm>>
    %dma_wait3A_34 = arith.constant 0 : i32
    %dma_wait3A_35 = arith.constant 0 : i32
    %dma_wait3A_36 = tpu.memref_slice %arg4[%dma_wait3A_34, %dma_wait3A_35] : memref<204800x128xf32, #tpu.memory_space<hbm>> -> memref<32x128xf32, #tpu.memory_space<hbm>>
    %dma_wait3A_37 = arith.constant 0 : i32
    %dma_wait3A_38 = arith.constant 0 : i32
    %dma_wait3A_39 = tpu.memref_slice %arg7[%dma_wait3A, %dma_wait3A_26, %dma_wait3A_37, %dma_wait3A_38] : memref<2x4x32x130xf32, #tpu.memory_space<vmem>> -> memref<1x1x32x128xf32, #tpu.memory_space<vmem>>
    %dma_wait3A_40 = tpu.memref_squeeze %dma_wait3A_39 : memref<1x1x32x128xf32, #tpu.memory_space<vmem>> -> memref<32x128xf32, #tpu.memory_space<vmem>>
    tpu.wait_dma2 semaphore(%arg10 : memref<!tpu.dma_semaphore, #tpu.memory_space<semaphore_mem>>) src(%dma_wait3A_40 : memref<32x128xf32, #tpu.memory_space<vmem>>) dst(%dma_wait3A_36 : memref<32x128xf32, #tpu.memory_space<hbm>>)
    %dma_wait3A_41 = arith.constant 0 : i32
    %dma_wait3A_42 = arith.constant 0 : i32
    %dma_wait3A_43 = arith.constant 0 : i32
    %dma_wait3A_44 = arith.constant 0 : i32
    %dma_wait3A_45 = tpu.memref_slice %arg7[%dma_wait3A_41, %dma_wait3A_42, %dma_wait3A_43, %dma_wait3A_44] : memref<2x4x32x130xf32, #tpu.memory_space<vmem>> -> memref<1x1x32x128xf32, #tpu.memory_space<vmem>>
    %dma_wait3A_46 = tpu.memref_squeeze %dma_wait3A_45 : memref<1x1x32x128xf32, #tpu.memory_space<vmem>> -> memref<32x128xf32, #tpu.memory_space<vmem>>
    %dma_wait3A_47 = arith.constant 0 : i32
    %dma_wait3A_48 = arith.constant 0 : i32
    %dma_wait3A_49 = tpu.memref_slice %arg4[%dma_wait3A_47, %dma_wait3A_48] : memref<204800x128xf32, #tpu.memory_space<hbm>> -> memref<32x128xf32, #tpu.memory_space<hbm>>
    %dma_wait3A_50 = arith.constant 0 : i32
    %dma_wait3A_51 = arith.constant 0 : i32
    %dma_wait3A_52 = tpu.memref_slice %arg4[%dma_wait3A_50, %dma_wait3A_51] : memref<204800x128xf32, #tpu.memory_space<hbm>> -> memref<32x128xf32, #tpu.memory_space<hbm>>
    %dma_wait3A_53 = arith.constant 0 : i32
    %dma_wait3A_54 = arith.constant 0 : i32
    %dma_wait3A_55 = tpu.memref_slice %arg7[%dma_wait3A_41, %dma_wait3A_42, %dma_wait3A_53, %dma_wait3A_54] : memref<2x4x32x130xf32, #tpu.memory_space<vmem>> -> memref<1x1x32x128xf32, #tpu.memory_space<vmem>>
    %dma_wait3A_56 = tpu.memref_squeeze %dma_wait3A_55 : memref<1x1x32x128xf32, #tpu.memory_space<vmem>> -> memref<32x128xf32, #tpu.memory_space<vmem>>
    tpu.wait_dma2 semaphore(%arg10 : memref<!tpu.dma_semaphore, #tpu.memory_space<semaphore_mem>>) src(%dma_wait3A_56 : memref<32x128xf32, #tpu.memory_space<vmem>>) dst(%dma_wait3A_52 : memref<32x128xf32, #tpu.memory_space<hbm>>)
    %dma_wait3A_57 = arith.constant 0 : i32
    %dma_wait3A_58 = arith.constant 0 : i32
    %dma_wait3A_59 = arith.constant 0 : i32
    %dma_wait3A_60 = arith.constant 0 : i32
    %dma_wait3A_61 = tpu.memref_slice %arg7[%dma_wait3A_57, %dma_wait3A_58, %dma_wait3A_59, %dma_wait3A_60] : memref<2x4x32x130xf32, #tpu.memory_space<vmem>> -> memref<1x1x32x128xf32, #tpu.memory_space<vmem>>
    %dma_wait3A_62 = tpu.memref_squeeze %dma_wait3A_61 : memref<1x1x32x128xf32, #tpu.memory_space<vmem>> -> memref<32x128xf32, #tpu.memory_space<vmem>>
    %dma_wait3A_63 = arith.constant 0 : i32
    %dma_wait3A_64 = arith.constant 0 : i32
    %dma_wait3A_65 = tpu.memref_slice %arg4[%dma_wait3A_63, %dma_wait3A_64] : memref<204800x128xf32, #tpu.memory_space<hbm>> -> memref<32x128xf32, #tpu.memory_space<hbm>>
    %dma_wait3A_66 = arith.constant 0 : i32
    %dma_wait3A_67 = arith.constant 0 : i32
    %dma_wait3A_68 = tpu.memref_slice %arg4[%dma_wait3A_66, %dma_wait3A_67] : memref<204800x128xf32, #tpu.memory_space<hbm>> -> memref<32x128xf32, #tpu.memory_space<hbm>>
    %dma_wait3A_69 = arith.constant 0 : i32
    %dma_wait3A_70 = arith.constant 0 : i32
    %dma_wait3A_71 = tpu.memref_slice %arg7[%dma_wait3A_57, %dma_wait3A_58, %dma_wait3A_69, %dma_wait3A_70] : memref<2x4x32x130xf32, #tpu.memory_space<vmem>> -> memref<1x1x32x128xf32, #tpu.memory_space<vmem>>
    %dma_wait3A_72 = tpu.memref_squeeze %dma_wait3A_71 : memref<1x1x32x128xf32, #tpu.memory_space<vmem>> -> memref<32x128xf32, #tpu.memory_space<vmem>>
    tpu.wait_dma2 semaphore(%arg10 : memref<!tpu.dma_semaphore, #tpu.memory_space<semaphore_mem>>) src(%dma_wait3A_72 : memref<32x128xf32, #tpu.memory_space<vmem>>) dst(%dma_wait3A_68 : memref<32x128xf32, #tpu.memory_space<hbm>>)
    %dma_wait3A_73 = arith.constant 0 : i32
    %dma_wait3A_74 = arith.constant 0 : i32
    %dma_wait3A_75 = arith.constant 0 : i32
    %dma_wait3A_76 = arith.constant 0 : i32
    %dma_wait3A_77 = tpu.memref_slice %arg7[%dma_wait3A_73, %dma_wait3A_74, %dma_wait3A_75, %dma_wait3A_76] : memref<2x4x32x130xf32, #tpu.memory_space<vmem>> -> memref<1x1x32x128xf32, #tpu.memory_space<vmem>>
    %dma_wait3A_78 = tpu.memref_squeeze %dma_wait3A_77 : memref<1x1x32x128xf32, #tpu.memory_space<vmem>> -> memref<32x128xf32, #tpu.memory_space<vmem>>
    %dma_wait3A_79 = arith.constant 0 : i32
    %dma_wait3A_80 = arith.constant 0 : i32
    %dma_wait3A_81 = tpu.memref_slice %arg4[%dma_wait3A_79, %dma_wait3A_80] : memref<204800x128xf32, #tpu.memory_space<hbm>> -> memref<32x128xf32, #tpu.memory_space<hbm>>
    %dma_wait3A_82 = arith.constant 0 : i32
    %dma_wait3A_83 = arith.constant 0 : i32
    %dma_wait3A_84 = tpu.memref_slice %arg4[%dma_wait3A_82, %dma_wait3A_83] : memref<204800x128xf32, #tpu.memory_space<hbm>> -> memref<32x128xf32, #tpu.memory_space<hbm>>
    %dma_wait3A_85 = arith.constant 0 : i32
    %dma_wait3A_86 = arith.constant 0 : i32
    %dma_wait3A_87 = tpu.memref_slice %arg7[%dma_wait3A_73, %dma_wait3A_74, %dma_wait3A_85, %dma_wait3A_86] : memref<2x4x32x130xf32, #tpu.memory_space<vmem>> -> memref<1x1x32x128xf32, #tpu.memory_space<vmem>>
    %dma_wait3A_88 = tpu.memref_squeeze %dma_wait3A_87 : memref<1x1x32x128xf32, #tpu.memory_space<vmem>> -> memref<32x128xf32, #tpu.memory_space<vmem>>
    tpu.wait_dma2 semaphore(%arg10 : memref<!tpu.dma_semaphore, #tpu.memory_space<semaphore_mem>>) src(%dma_wait3A_88 : memref<32x128xf32, #tpu.memory_space<vmem>>) dst(%dma_wait3A_84 : memref<32x128xf32, #tpu.memory_space<hbm>>)
    %dma_wait3A_89 = arith.constant 1 : i32
    %dma_wait3A_90 = arith.constant 0 : i32
    %dma_wait3A_91 = arith.constant 0 : i32
    %dma_wait3A_92 = arith.constant 0 : i32
    %dma_wait3A_93 = tpu.memref_slice %arg7[%dma_wait3A_89, %dma_wait3A_90, %dma_wait3A_91, %dma_wait3A_92] : memref<2x4x32x130xf32, #tpu.memory_space<vmem>> -> memref<1x1x32x128xf32, #tpu.memory_space<vmem>>
    %dma_wait3A_94 = tpu.memref_squeeze %dma_wait3A_93 : memref<1x1x32x128xf32, #tpu.memory_space<vmem>> -> memref<32x128xf32, #tpu.memory_space<vmem>>
    %dma_wait3A_95 = arith.constant 0 : i32
    %dma_wait3A_96 = arith.constant 0 : i32
    %dma_wait3A_97 = tpu.memref_slice %arg4[%dma_wait3A_95, %dma_wait3A_96] : memref<204800x128xf32, #tpu.memory_space<hbm>> -> memref<32x128xf32, #tpu.memory_space<hbm>>
    %dma_wait3A_98 = arith.constant 0 : i32
    %dma_wait3A_99 = arith.constant 0 : i32
    %dma_wait3A_100 = tpu.memref_slice %arg4[%dma_wait3A_98, %dma_wait3A_99] : memref<204800x128xf32, #tpu.memory_space<hbm>> -> memref<32x128xf32, #tpu.memory_space<hbm>>
    %dma_wait3A_101 = arith.constant 0 : i32
    %dma_wait3A_102 = arith.constant 0 : i32
    %dma_wait3A_103 = tpu.memref_slice %arg7[%dma_wait3A_89, %dma_wait3A_90, %dma_wait3A_101, %dma_wait3A_102] : memref<2x4x32x130xf32, #tpu.memory_space<vmem>> -> memref<1x1x32x128xf32, #tpu.memory_space<vmem>>
    %dma_wait3A_104 = tpu.memref_squeeze %dma_wait3A_103 : memref<1x1x32x128xf32, #tpu.memory_space<vmem>> -> memref<32x128xf32, #tpu.memory_space<vmem>>
    tpu.wait_dma2 semaphore(%arg11 : memref<!tpu.dma_semaphore, #tpu.memory_space<semaphore_mem>>) src(%dma_wait3A_104 : memref<32x128xf32, #tpu.memory_space<vmem>>) dst(%dma_wait3A_100 : memref<32x128xf32, #tpu.memory_space<hbm>>)
    %dma_wait3A_105 = arith.constant 1 : i32
    %dma_wait3A_106 = arith.constant 0 : i32
    %dma_wait3A_107 = arith.constant 0 : i32
    %dma_wait3A_108 = arith.constant 0 : i32
    %dma_wait3A_109 = tpu.memref_slice %arg7[%dma_wait3A_105, %dma_wait3A_106, %dma_wait3A_107, %dma_wait3A_108] : memref<2x4x32x130xf32, #tpu.memory_space<vmem>> -> memref<1x1x32x128xf32, #tpu.memory_space<vmem>>
    %dma_wait3A_110 = tpu.memref_squeeze %dma_wait3A_109 : memref<1x1x32x128xf32, #tpu.memory_space<vmem>> -> memref<32x128xf32, #tpu.memory_space<vmem>>
    %dma_wait3A_111 = arith.constant 0 : i32
    %dma_wait3A_112 = arith.constant 0 : i32
    %dma_wait3A_113 = tpu.memref_slice %arg4[%dma_wait3A_111, %dma_wait3A_112] : memref<204800x128xf32, #tpu.memory_space<hbm>> -> memref<32x128xf32, #tpu.memory_space<hbm>>
    %dma_wait3A_114 = arith.constant 0 : i32
    %dma_wait3A_115 = arith.constant 0 : i32
    %dma_wait3A_116 = tpu.memref_slice %arg4[%dma_wait3A_114, %dma_wait3A_115] : memref<204800x128xf32, #tpu.memory_space<hbm>> -> memref<32x128xf32, #tpu.memory_space<hbm>>
    %dma_wait3A_117 = arith.constant 0 : i32
    %dma_wait3A_118 = arith.constant 0 : i32
    %dma_wait3A_119 = tpu.memref_slice %arg7[%dma_wait3A_105, %dma_wait3A_106, %dma_wait3A_117, %dma_wait3A_118] : memref<2x4x32x130xf32, #tpu.memory_space<vmem>> -> memref<1x1x32x128xf32, #tpu.memory_space<vmem>>
    %dma_wait3A_120 = tpu.memref_squeeze %dma_wait3A_119 : memref<1x1x32x128xf32, #tpu.memory_space<vmem>> -> memref<32x128xf32, #tpu.memory_space<vmem>>
    tpu.wait_dma2 semaphore(%arg11 : memref<!tpu.dma_semaphore, #tpu.memory_space<semaphore_mem>>) src(%dma_wait3A_120 : memref<32x128xf32, #tpu.memory_space<vmem>>) dst(%dma_wait3A_116 : memref<32x128xf32, #tpu.memory_space<hbm>>)
    %dma_wait3A_121 = arith.constant 1 : i32
    %dma_wait3A_122 = arith.constant 0 : i32
    %dma_wait3A_123 = arith.constant 0 : i32
    %dma_wait3A_124 = arith.constant 0 : i32
    %dma_wait3A_125 = tpu.memref_slice %arg7[%dma_wait3A_121, %dma_wait3A_122, %dma_wait3A_123, %dma_wait3A_124] : memref<2x4x32x130xf32, #tpu.memory_space<vmem>> -> memref<1x1x32x128xf32, #tpu.memory_space<vmem>>
    %dma_wait3A_126 = tpu.memref_squeeze %dma_wait3A_125 : memref<1x1x32x128xf32, #tpu.memory_space<vmem>> -> memref<32x128xf32, #tpu.memory_space<vmem>>
    %dma_wait3A_127 = arith.constant 0 : i32
    %dma_wait3A_128 = arith.constant 0 : i32
    %dma_wait3A_129 = tpu.memref_slice %arg4[%dma_wait3A_127, %dma_wait3A_128] : memref<204800x128xf32, #tpu.memory_space<hbm>> -> memref<32x128xf32, #tpu.memory_space<hbm>>
    %dma_wait3A_130 = arith.constant 0 : i32
    %dma_wait3A_131 = arith.constant 0 : i32
    %dma_wait3A_132 = tpu.memref_slice %arg4[%dma_wait3A_130, %dma_wait3A_131] : memref<204800x128xf32, #tpu.memory_space<hbm>> -> memref<32x128xf32, #tpu.memory_space<hbm>>
    %dma_wait3A_133 = arith.constant 0 : i32
    %dma_wait3A_134 = arith.constant 0 : i32
    %dma_wait3A_135 = tpu.memref_slice %arg7[%dma_wait3A_121, %dma_wait3A_122, %dma_wait3A_133, %dma_wait3A_134] : memref<2x4x32x130xf32, #tpu.memory_space<vmem>> -> memref<1x1x32x128xf32, #tpu.memory_space<vmem>>
    %dma_wait3A_136 = tpu.memref_squeeze %dma_wait3A_135 : memref<1x1x32x128xf32, #tpu.memory_space<vmem>> -> memref<32x128xf32, #tpu.memory_space<vmem>>
    tpu.wait_dma2 semaphore(%arg11 : memref<!tpu.dma_semaphore, #tpu.memory_space<semaphore_mem>>) src(%dma_wait3A_136 : memref<32x128xf32, #tpu.memory_space<vmem>>) dst(%dma_wait3A_132 : memref<32x128xf32, #tpu.memory_space<hbm>>)
    %dma_wait3A_137 = arith.constant 1 : i32
    %dma_wait3A_138 = arith.constant 0 : i32
    %dma_wait3A_139 = arith.constant 0 : i32
    %dma_wait3A_140 = arith.constant 0 : i32
    %dma_wait3A_141 = tpu.memref_slice %arg7[%dma_wait3A_137, %dma_wait3A_138, %dma_wait3A_139, %dma_wait3A_140] : memref<2x4x32x130xf32, #tpu.memory_space<vmem>> -> memref<1x1x32x128xf32, #tpu.memory_space<vmem>>
    %dma_wait3A_142 = tpu.memref_squeeze %dma_wait3A_141 : memref<1x1x32x128xf32, #tpu.memory_space<vmem>> -> memref<32x128xf32, #tpu.memory_space<vmem>>
    %dma_wait3A_143 = arith.constant 0 : i32
    %dma_wait3A_144 = arith.constant 0 : i32
    %dma_wait3A_145 = tpu.memref_slice %arg4[%dma_wait3A_143, %dma_wait3A_144] : memref<204800x128xf32, #tpu.memory_space<hbm>> -> memref<32x128xf32, #tpu.memory_space<hbm>>
    %dma_wait3A_146 = arith.constant 0 : i32
    %dma_wait3A_147 = arith.constant 0 : i32
    %dma_wait3A_148 = tpu.memref_slice %arg4[%dma_wait3A_146, %dma_wait3A_147] : memref<204800x128xf32, #tpu.memory_space<hbm>> -> memref<32x128xf32, #tpu.memory_space<hbm>>
    %dma_wait3A_149 = arith.constant 0 : i32
    %dma_wait3A_150 = arith.constant 0 : i32
    %dma_wait3A_151 = tpu.memref_slice %arg7[%dma_wait3A_137, %dma_wait3A_138, %dma_wait3A_149, %dma_wait3A_150] : memref<2x4x32x130xf32, #tpu.memory_space<vmem>> -> memref<1x1x32x128xf32, #tpu.memory_space<vmem>>
    %dma_wait3A_152 = tpu.memref_squeeze %dma_wait3A_151 : memref<1x1x32x128xf32, #tpu.memory_space<vmem>> -> memref<32x128xf32, #tpu.memory_space<vmem>>
    tpu.wait_dma2 semaphore(%arg11 : memref<!tpu.dma_semaphore, #tpu.memory_space<semaphore_mem>>) src(%dma_wait3A_152 : memref<32x128xf32, #tpu.memory_space<vmem>>) dst(%dma_wait3A_148 : memref<32x128xf32, #tpu.memory_space<hbm>>)
    return
  }
}

</mosaic_0001>

<sc_bundles>
// kernel: kernel.3.cloned.1.call-start
scs
__scs_entry_jumppad:
0x0: {  	(pc) =	sbr.rel $0x88, $3  }
0x1: {  	(tag) =	ssettag $0x0;
	lr =	simm.s32 $0x1  }
0x2: {  	[smem:$0x3F9F] =	sst lr;
	_ =	strace $0xD0000000  }
0x3: {  	_ = 	snop  }
0x4: {  	_ = 	snop  }
0x5: {  	_ = 	snop  }
0x6: {  	_ = 	snop  }
0x7: {  	_ = 	snop  }
__scs_overlays_trampoline_lowered:
0x8: {  	[smem:$0x3FAE] =	sst s0  }
0x9: {  	[smem:$0x3FAF] =	sst s1  }
0xa: {  	[smem:$0x3FB0] =	sst s2  }
0xb: {  	[smem:$0x3FB1] =	sst s3  }
0xc: {  	[smem:$0x3FB2] =	sst s4  }
0xd: {  	[smem:$0x3FB3] =	sst s5  }
0xe: {  	[smem:$0x3FB4] =	sst s6  }
0xf: {  	[smem:$0x3FB5] =	sst s7  }
0x10: {  	[smem:$0x3FB6] =	sst s8  }
0x11: {  	[smem:$0x3FB7] =	sst s9;
	s0 =	simm.s32 @!p0 $0x0  }
0x12: {  	s1 =	sld [smem:$0x3F9D];
	s0 =	simm.s32 @p0 $0x1  }
0x13: {  	[smem:$0x3FB8] =	sst s0;
	s0 =	simm.s32 @!p1 $0x0  }
0x14: {  	s2 =	sld [smem:$0x3F9C];
	s0 =	simm.s32 @p1 $0x1  }
0x15: {  	[smem:$0x3FB9] =	sst s0;
	s0 =	simm.s32 @!p2 $0x0  }
0x16: {  	s3 =	sld [smem:$0x3FDB];
	s0 =	simm.s32 @p2 $0x1  }
0x17: {  	s4 =	simm.s32 $0x1BF5;
	[smem:$0x3FBB] =	sst s0  }
0x18: {  	s0 =	sld [smem:$0x3F9E];
	_ =	swait.ge [sflag:s4], $0x0  }
0x19: {  	s7 =	sld [smem:$0x3F9F]  }
0x1a: {  	s8 =	sadd.s32 $0xFFFFE003, lr  }
0x1b: {  	s9 =	sadd.s32 $0xFFFFFEF7, lr;
	s5 =	simm.s32 $0xFFFFFFFF;
	p2 =	slt.u32 s8, $0xFFFFF086  }
0x1c: {  	p1 =	slt.u32 s9, $0xF7A;
	s5 =	simm.s32 @!p2 $0x0  }
0x1d: {  	s5 =	simm.s32 @p1 $0x1;
	p0 =	seq.s32 s7, s2  }
0x1e: {  	s7 =	smul.u32 @!p0 $0xF7A, s2;
	p2 =	seq.s32 @!p0 s5, $0x0  }
0x1f: {  	s9 =	smul.u32 $0xF7A, s1;
	s8 =	simm.s32 @!p0 $0x1BF5;
	p2 =	por !p2, p0  }
0x20: {  	[sflag:s8] =	ssyncset.s32 @!p0 $0xFFFFF086;
	s6 =	sadd.s32 @!p0 s3, s7;
	s7 =	simm.s32 @!p0 $0x108  }
0x21: {  	s3 =	sadd.s32 s3, s9;
	s6 =	sadd.s32 @!p0 $0x88, s6;
	s7 =	simm.s32 @p2 $0x1082  }
0x22: {  	[simem:s7], [sflag:s8] =	dma.local @!p0 [hbm:s6], $0xF7A  }
0x23: {  	s9 =	sor.u32 $0xD0000000, s2;
	s6 =	simm.s32 $0x108;
	_ =	swait.ge @!p0 [sflag:s8], $0x0  }
0x24: {  	s3 =	sadd.s32 $0x88, s3;
	s6 =	simm.s32 @!p1 $0x1082;
	[sflag:s4] =	ssyncset.s32 $0xFFFFF086  }
0x25: {  	[simem:s6], [sflag:s4] =	dma.local [hbm:s3], $0xF7A  }
0x26: {  	[smem:$0x3F9F] =	sst s1;
	(tag) =	ssettag s2;
	_ =	strace s9  }
0x27: {  	s1 =	sld [smem:$0x3FAF]  }
0x28: {  	s2 =	sld [smem:$0x3FB0]  }
0x29: {  	s4 =	sld [smem:$0x3FB2]  }
0x2a: {  	p0 =	seq.s32 s5, $0x0;
	s5 =	sld [smem:$0x3FB3]  }
0x2b: {  	s6 =	sld [smem:$0x3FB4]  }
0x2c: {  	s7 =	sld [smem:$0x3FB5]  }
0x2d: {  	s3 =	simm.s32 $0x108;
	s8 =	sld [smem:$0x3FB6]  }
0x2e: {  	s3 =	simm.s32 @!p0 $0x1082;
	s9 =	sld [smem:$0x3FB7]  }
0x2f: {  	lr =	sadd.s32 s0, s3;
	s0 =	sld [smem:$0x3FAE]  }
0x30: {  	s3 =	sld [smem:$0x3FB1]  }
0x31: {  	[smem:$0x3FBA] =	sst s10  }
0x32: {  	s10 =	sld [smem:$0x3FB8];
	_ =	sdelay $0x3  }
0x33: {  	p0 =	seq.s32 s10, $0x1;
	s10 =	sld [smem:$0x3FBA];
	_ =	sdelay $0x3  }
0x34: {  	[smem:$0x3FBA] =	sst s10  }
0x35: {  	s10 =	sld [smem:$0x3FB9];
	_ =	sdelay $0x3  }
0x36: {  	p1 =	seq.s32 s10, $0x1;
	s10 =	sld [smem:$0x3FBA];
	_ =	sdelay $0x3  }
0x37: {  	[smem:$0x3FBA] =	sst s10  }
0x38: {  	s10 =	sld [smem:$0x3FBB]  }
0x39: {  	_ = 	snop;
	(pc) =	sbr.ind lr, $3  }
0x3a: {  	_ = 	snop  }
0x3b: {  	_ = 	snop  }
0x3c: {  	p2 =	seq.s32 s10, $0x1;
	s10 =	sld [smem:$0x3FBA]  }
0x3d: {  	_ =	shalt  }
0x3e: {  	_ =	shalt  }
0x3f: {  	_ =	shalt  }
0x40: {  	_ =	shalt  }
0x41: {  	_ =	shalt  }
0x42: {  	_ =	shalt  }
0x43: {  	_ =	shalt  }
0x44: {  	_ =	shalt  }
0x45: {  	_ =	shalt  }
0x46: {  	_ =	shalt  }
0x47: {  	_ =	shalt  }
0x48: {  	_ =	shalt  }
0x49: {  	_ =	shalt  }
0x4a: {  	_ =	shalt  }
0x4b: {  	_ =	shalt  }
0x4c: {  	_ =	shalt  }
0x4d: {  	_ =	shalt  }
0x4e: {  	_ =	shalt  }
0x4f: {  	_ =	shalt  }
0x50: {  	_ =	shalt  }
0x51: {  	_ =	shalt  }
0x52: {  	_ =	shalt  }
0x53: {  	_ =	shalt  }
0x54: {  	_ =	shalt  }
0x55: {  	_ =	shalt  }
0x56: {  	_ =	shalt  }
0x57: {  	_ =	shalt  }
0x58: {  	_ =	shalt  }
0x59: {  	_ =	shalt  }
0x5a: {  	_ =	shalt  }
0x5b: {  	_ =	shalt  }
0x5c: {  	_ =	shalt  }
0x5d: {  	_ =	shalt  }
0x5e: {  	_ =	shalt  }
0x5f: {  	_ =	shalt  }
0x60: {  	_ =	shalt  }
0x61: {  	_ =	shalt  }
0x62: {  	_ =	shalt  }
0x63: {  	_ =	shalt  }
0x64: {  	_ =	shalt  }
0x65: {  	_ =	shalt  }
0x66: {  	_ =	shalt  }
0x67: {  	_ =	shalt  }
0x68: {  	_ =	shalt  }
0x69: {  	_ =	shalt  }
0x6a: {  	_ =	shalt  }
0x6b: {  	_ =	shalt  }
0x6c: {  	_ =	shalt  }
0x6d: {  	_ =	shalt  }
0x6e: {  	_ =	shalt  }
0x6f: {  	_ =	shalt  }
0x70: {  	_ =	shalt  }
0x71: {  	_ =	shalt  }
0x72: {  	_ =	shalt  }
0x73: {  	_ =	shalt  }
0x74: {  	_ =	shalt  }
0x75: {  	_ =	shalt  }
0x76: {  	_ =	shalt  }
0x77: {  	_ =	shalt  }
0x78: {  	_ =	shalt  }
0x79: {  	_ =	shalt  }
0x7a: {  	_ =	shalt  }
0x7b: {  	_ =	shalt  }
0x7c: {  	_ =	shalt  }
0x7d: {  	_ =	shalt  }
0x7e: {  	_ =	shalt  }
0x7f: {  	_ =	shalt  }
0x80: {  	_ =	shalt  }
0x81: {  	_ =	shalt  }
0x82: {  	_ =	shalt  }
0x83: {  	_ =	shalt  }
0x84: {  	_ =	shalt  }
0x85: {  	_ =	shalt  }
0x86: {  	_ =	shalt  }
0x87: {  	_ =	shalt  }
.Lfunc_end0:
.L_simem_size_0:
called_computation_lowered:
.L_overlay_start_0:
0x88: {  	s2 =	sld [smem:$0x3FD9]  }
0x89: {  	s3 =	sld [smem:$0x3FFE];
	_ =	sdelay $0x1  }
0x8a: {  	s1 =	srdreg.scid  }
0x8b: {  	s0 =	sand.u32 $0x1, s1  }
0x8c: {  	s17 =	sshll.u32 s0, $0xA;
	s2 =	sadd.s32 s3, s2  }
0x8d: {  	s2 =	sadd.s32 s2, s17  }
0x8e: {  	[smem:$0x3FC6] =	sst s2  }
0x8f: {  	_ = 	snop  }
0x90: {  	s2 =	sld [smem:$0x3FD0];
	(tm) =	ssettm $0x1  }
0x91: {  	s18 =	sld [smem:$0x3FFB];
	_ =	sdelay $0x3  }
0x92: {  	_ =	strace s18  }
0x93: {  	s3 =	sld [smem:$0x3FFC];
	_ =	sdelay $0x3  }
0x94: {  	_ =	strace s3  }
0x95: {  	s3 =	sld [smem:$0x3FFD];
	_ =	sdelay $0x3  }
0x96: {  	_ =	strace s3  }
0x97: {  	_ =	strace $0x8FFFFFFF  }
0x98: {  	s19 =	sld [smem:$0x3FDB];
	_ =	sdelay $0x1  }
0x99: {  	s4 =	simm.s32 $_scs_section_size  }
0x9a: {  	s5 =	simm.s32 $_size__tile_overlayer_lowered;
	s6 =	simm.s32 $_tile_overlayer_lowered  }
0x9b: {  	s22 =	simm.s32 $0x1BFF;
	s21 =	sshll.u32 s6, $0x1;
	s3 =	sadd.s32 s4, s19  }
0x9c: {  	s7 =	simm.s32 $0x0;
	s20 =	sshll.u32 s5, $0x1;
	s5 =	sadd.s32 s21, s3  }
0x9d: {  	[timem:s7], [sflag:s22] =	dma.local [hbm:s5], s20  }
0x9e: {  	_ =	swait.ge [sflag:s22], s20  }
0x9f: {  	s4 =	ssub.s32 $0x0, s20;
	[sflag:s22] =	ssyncset.done $0x0  }
0xa0: {  	[sflag:s22] =	ssyncadd.s32 s4;
	_ =	sdelay $0x1  }
0xa1: {  	s23 =	simm.s32 $0x1B8B  }
0xa2: {  	_ =	swait.ge [sflag:s23], $0x1  }
0xa3: {  	[sflag:s23] =	ssyncset.done $0x0  }
0xa4: {  	s25 =	simm.s32 $0x1B8E;
	s24 =	sld [smem:$0x3FFE];
	[sflag:s23] =	ssyncadd.s32 $0xFFFFFFFF  }
0xa5: {  	s26 =	simm.s32 $execute0_lowered;
	[smem:$0x3FD2] =	sst s25  }
0xa6: {  	s5 =	sshll.u32 s26, $0x1;
	_ =	strace $0x80000046;
	[dreg:$0x1] =	wrdreg $0xFFFFFFFF  }
0xa7: {  	s28 =	simm.s32 $_size_execute0_lowered;
	s3 =	sadd.s32 s3, s5;
	[dreg:$0x0] =	wrdreg $0x0  }
0xa8: {  	s5 =	sshll.u32 s28, $0x1;
	[dreg:$0x2] =	wrdreg s3  }
0xa9: {  	[dreg:$0x3] =	wrdreg s5  }
0xaa: {  	[dreg:$0x4] =	wrdreg $0xC0  }
0xab: {  	_ =	task [dreg:s7], $0x5FFFF  }
0xac: {  	[dreg:$0x1] =	wrdreg $0xFFFFFFFF  }
0xad: {  	[dreg:$0x0] =	wrdreg $0x60  }
0xae: {  	[dreg:$0x2] =	wrdreg s24  }
0xaf: {  	[dreg:$0x3] =	wrdreg s2  }
0xb0: {  	[dreg:$0x4] =	wrdreg $0x9  }
0xb1: {  	_ =	task.clear_ibuf [dreg:s7], $0x5FFFF;
	_ =	strace $0x90000046  }
0xb2: {  	s29 =	simm.s32 $0x9;
	_ =	strace $0x80000048  }
0xb3: {  	_ =	swait.ge [sflag:s29], $0x1  }
0xb4: {  	[sflag:s29] =	ssyncadd.s32 $0xFFFFFFFF  }
0xb5: {  	_ =	strace $0x90000048  }
0xb6: {  	_ =	sfence  }
0xb7: {  	s30 =	sld [smem:$0x0];
	_ =	sdelay $0x2  }
0xb8: {  	s31 =	sshll.u32 s1, $0xD;
	s1 =	sshrl.u32 s1, $0x2  }
0xb9: {  	s3 =	sand.u32 $0x4000, s31;
	s1 =	sadd.s32 s1, s30  }
0xba: {  	s0 =	sor.u32 s3, s0;
	s1 =	sshll.u32 s1, $0x11  }
0xbb: {  	s0 =	sor.u32 s1, s0  }
0xbc: {  	s0 =	sadd.s32 $0x8F2B, s0  }
0xbd: {  	[sflag:s0] =	ssyncadd.remote.s32 $0x1  }
0xbe: {  	_ =	sfence.sel $0xFFFF  }
0xbf: {  	[dreg:$0x0] =	wrdreg $0xFFFFFFFF;
	(pc) =	sbr.abs _section_cstart, $3  }
0xc0: {  	[dreg:$0x1] =	wrdreg $0xFFFFFFFF  }
0xc1: {  	_ =	task.clear_ibuf [dreg:s7], $0x2FFFF;
	_ =	strace $0x9FFFFFFF  }
0xc2: {  	(tm) =	ssettm $0x7FFFFFFF  }
0xc3: {  	_ =	shalt  }
tec
execute0_lowered:
.L_overlay_start_1:
0x0: {  	(tag) =	ssettag $0x1  }
0x1: {  	v0 =	vimm.s32 $0x14B8  }
0x2: {  	vm0 =	vcmask $0x300;
	vm1 =	vcmask $0x704;
	v1 =	vimm.s32 $0x36B8  }
0x3: {  	vm2 =	vcmask $0xB08;
	v0 =	vsel vm0, $0x0, v0;
	v1 =	vsel vm0, $0x2200, v1  }
0x4: {  	vm3 =	vcmask $0xF0C;
	v0 =	vsel vm1, $0x88, v0;
	v1 =	vsel vm1, $0x2288, v1  }
0x5: {  	vm15 =	vcmask $0x1310;
	v0 =	vsel vm2, $0x110, v0;
	v1 =	vsel vm2, $0x2310, v1  }
0x6: {  	s1 =	rddreg [dreg:$0x0];
	s3 =	srdreg.scid;
	vm6 =	vcmask $0x1714;
	v0 =	vsel vm3, $0x198, v0;
	v1 =	vsel vm3, $0x2398, v1  }
0x7: {  	s0 =	stileid.u32;
	s2 =	rddreg [dreg:$0x1];
	vm7 =	vcmask $0x1B18;
	v0 =	vsel vm15, $0x220, v0;
	v1 =	vsel vm15, $0x2420, v1  }
0x8: {  	vm8 =	vcmask $0x1F1C;
	s11 =	simm.s32 $0x5;
	s12 =	simm.s32 $0x200;
	s13 =	simm.s32 $0x6400;
	v0 =	vsel vm6, $0x2A8, v0;
	v1 =	vsel vm6, $0x24A8, v1  }
0x9: {  	vm9 =	vcmask $0x2320;
	s14 =	simm.s32 $0xA400;
	s15 =	simm.s32 $0x1;
	s16 =	simm.s32 $0xE400;
	v0 =	vsel vm7, $0x330, v0;
	v1 =	vsel vm7, $0x2530, v1  }
0xa: {  	vm10 =	vcmask $0x2724;
	s17 =	simm.s32 $0x2;
	s18 =	simm.s32 $0x4;
	s19 =	simm.s32 $0x12800;
	v0 =	vsel vm8, $0x3B8, v0;
	v1 =	vsel vm8, $0x25B8, v1  }
0xb: {  	vm11 =	vcmask $0x2B28;
	s20 =	simm.s32 $0x3;
	s4 =	sand.u32 $0x1, s3;
	s5 =	sshll.u32 s0, $0x1;
	v0 =	vsel vm9, $0x1100, v0;
	v1 =	vsel vm9, $0x3300, v1  }
0xc: {  	vm12 =	vcmask $0x2F2C;
	s21 =	simm.s32 $0x0;
	s3 =	simm.s32 $0x0;
	s5 =	sor.u32 s4, s5;
	v0 =	vsel vm10, $0x1188, v0;
	v1 =	vsel vm10, $0x3388, v1  }
0xd: {  	vm13 =	vcmask $0x3330;
	s8 =	sadd.s32 $0x8000, s2;
	s9 =	sadd.s32 $0xC000, s2;
	s6 =	smul.u32 $0xC80, s5;
	v0 =	vsel vm11, $0x1210, v0;
	v1 =	vsel vm11, $0x3410, v1  }
0xe: {  	vm14 =	vcmask $0x3734;
	[smem:$0x7FF] =	sst s3;
	s7 =	ssub.s32 $0x2, s4;
	s4 =	sadd.s32 $0xF42A00, s1;
	v0 =	vsel vm12, $0x1298, v0;
	v1 =	vsel vm12, $0x3498, v1  }
0xf: {  	v2 =	vimm.s32 $0x0;
	_ =	strace $0x80000047;
	s30 =	sshrl.u32 s7, $0x1;
	s6 =	sadd.s32 s6, s1;
	v0 =	vsel vm13, $0x1320, v0;
	v1 =	vsel vm13, $0x3520, v1  }
0x10: {  	s5 =	smul.u32 $0x32, s5;
	s1 =	ssub.s32 s7, s30;
	vm15 =	vcmask $0x3B38;
	s31 =	sadd.s32 $0x600, s6;
	v0 =	vsel vm14, $0x13A8, v0;
	v3 =	vsel vm14, $0x35A8, v1  }
0x11: {  	s7 =	sadd.s32 $0x4000, s2;
	s10 =	smax.u32 s1, $0x1;
	[dreg:$0x3] =	wrdreg s31;
	v1 =	vsel vm0, $0x3, v2;
	v0 =	vsel vm15, $0x1430, v0;
	v2 =	vsel vm15, $0x3630, v3  }
.LBB2_1:
0x12: {  	s0 =	rddreg [dreg:$0x3]  }
0x13: {  	[tilespmem:s3], [sflag:$0x5] =	stream.linear.gather [hbm4b:s0+s3], $0x6400, $0x38;
	[tilespmem:$0x16C00] =	vst v63  }
0x14: {  	_ =	swait.ge [sflag:s11], $0x6400  }
0x15: {  	[sflag:s11] =	ssyncset.done $0x0  }
0x16: {  	s22 =	simm.s32 $0x0;
	[sflag:s11] =	ssyncadd.s32 $0xFFFF9C00  }
0x17: {  	[tilespmem:s13], [sflag:$0x1] =	stream.indirect.gather [hbm4b:s4+s12], $0x20, s3, s12, $0xb8;
	[tilespmem:$0x16C00] =	vst v63  }
.LBB2_2:
0x18: {  	s23 =	sshllo.u32 s22, $0x1  }
0x19: {  	s1 =	sshll.u32 s23, $0x9  }
0x1a: {  	s1 =	sand.u32 $0x3FFFFE00, s1  }
0x1b: {  	[tilespmem:s14], [sflag:$0x2] =	stream.indirect.gather [hbm4b:s4+s12], $0x20, s1, s12, $0xb8;
	[tilespmem:$0x16C00] =	vst v63  }
0x1c: {  	_ =	swait.ge [sflag:s15], $0x4000  }
0x1d: {  	p0 =	seq.s32 s22, $0x0;
	[sflag:s15] =	ssyncset.done $0x0  }
0x1e: {  	s1 =	simm.s32 @!p0 $0x3;
	[sflag:s15] =	ssyncadd.s32 $0xFFFFC000  }
0x1f: {  	_ =	swait.ge @!p0 [sflag:s1], $0x1000  }
0x20: {  	[sflag:s1] =	ssyncset.done @!p0 $0x0  }
0x21: {  	[sflag:s1] =	ssyncadd.s32 @!p0 $0xFFFFF000  }
0x22: {  	_ =	swait.ge @!p0 [sflag:s1], $0x1000  }
0x23: {  	s24 =	simm.s32 $0x0;
	[sflag:s1] =	ssyncset.done @!p0 $0x0  }
0x24: {  	s25 =	simm.s32 $0x0;
	s24 =	sand.u32 $0x18, s24;
	[sflag:s1] =	ssyncadd.s32 @!p0 $0xFFFFF000  }
0x25: {  	s26 =	sand.u32 $0x78, s25;
	v3 =	vmov s24;
	_ =	swait.ge @!p0 [sflag:s1], $0x1000  }
0x26: {  	v4 =	vmov s26;
	v3 =	vmul.u32 $0x88, v3;
	[sflag:s1] =	ssyncset.done @!p0 $0x0  }
0x27: {  	v4 =	vshrl.u32 v4, $0x3;
	[sflag:s1] =	ssyncadd.s32 @!p0 $0xFFFFF000  }
0x28: {  	v4 =	vshll.u32 v4, v1;
	v3 =	vbroadcast v3, $0x0;
	_ =	swait.ge @!p0 [sflag:s1], $0x1000  }
0x29: {  	v4 =	vbroadcast v4, $0x0;
	[sflag:s1] =	ssyncset.done @!p0 $0x0  }
0x2a: {  	s31 =	simm.s32 $0x1;
	s24 =	simm.s32 $0x6480;
	v5 =	vadd.s32 v0, v3;
	[sflag:s1] =	ssyncadd.s32 @!p0 $0xFFFFF000  }
0x2b: {  	v3 =	vadd.s32 v2, v3;
	v7 =	vadd.s32 v4, v5;
	s1 =	sand.u32 $0x78, s31;
	v6 =	vld [tilespmem:s24+$0xFFFFFF80]  }
0x2c: {  	v4 =	vadd.s32 v4, v3;
	v8 =	vmov s1;
	v9 =	vld [tilespmem:s24+$0xFFFFFF90]  }
0x2d: {  	v8 =	vshrl.u32 v8, $0x3  }
0x2e: {  	v8 =	vshll.u32 v8, v1  }
0x2f: {  	v8 =	vbroadcast v8, $0x0  }
0x30: {  	[tilespmem:v7+s16+$0x0] =	vst.idx.msk $0xffff, v6  }
0x31: {  	s0 =	simm.s32 $0x2;
	[tilespmem:v4+s16+$0x0] =	vst.idx.msk $0xffff, v9;
	v4 =	vadd.s32 v5, v8  }
0x32: {  	s1 =	sand.u32 $0x78, s0;
	v6 =	vadd.s32 v3, v8;
	v7 =	vld [tilespmem:s24+$0xFFFFFFA0];
	v4 =	vor.u32 $0x1, v4  }
0x33: {  	v8 =	vmov s1;
	v6 =	vor.u32 $0x1, v6;
	v9 =	vld [tilespmem:s24+$0xFFFFFFB0]  }
0x34: {  	v8 =	vshrl.u32 v8, $0x3  }
0x35: {  	v8 =	vshll.u32 v8, v1  }
0x36: {  	v8 =	vbroadcast v8, $0x0  }
0x37: {  	[tilespmem:v4+s16+$0x0] =	vst.idx.msk $0xffff, v7  }
0x38: {  	s6 =	simm.s32 $0x3;
	v4 =	vadd.s32 v5, v8;
	[tilespmem:v6+s16+$0x0] =	vst.idx.msk $0xffff, v9  }
0x39: {  	s1 =	sand.u32 $0x78, s6;
	v6 =	vadd.s32 v3, v8;
	v4 =	vor.u32 $0x2, v4;
	v7 =	vld [tilespmem:s24+$0xFFFFFFC0]  }
0x3a: {  	v8 =	vmov s1;
	v9 =	vld [tilespmem:s24+$0xFFFFFFD0];
	v6 =	vor.u32 $0x2, v6  }
0x3b: {  	v8 =	vshrl.u32 v8, $0x3  }
0x3c: {  	v8 =	vshll.u32 v8, v1  }
0x3d: {  	v8 =	vbroadcast v8, $0x0  }
0x3e: {  	[tilespmem:v4+s16+$0x0] =	vst.idx.msk $0xffff, v7  }
0x3f: {  	s25 =	simm.s32 $0x4;
	v4 =	vadd.s32 v5, v8;
	[tilespmem:v6+s16+$0x0] =	vst.idx.msk $0xffff, v9  }
0x40: {  	s1 =	sand.u32 $0x78, s25;
	v6 =	vadd.s32 v3, v8;
	v4 =	vor.u32 $0x3, v4;
	v7 =	vld [tilespmem:s24+$0xFFFFFFE0]  }
0x41: {  	v8 =	vmov s1;
	v9 =	vld [tilespmem:s24+$0xFFFFFFF0];
	v6 =	vor.u32 $0x3, v6  }
0x42: {  	v8 =	vshrl.u32 v8, $0x3  }
0x43: {  	v8 =	vshll.u32 v8, v1  }
0x44: {  	v8 =	vbroadcast v8, $0x0  }
0x45: {  	[tilespmem:v4+s16+$0x0] =	vst.idx.msk $0xffff, v7  }
0x46: {  	s26 =	simm.s32 $0x5;
	v4 =	vadd.s32 v5, v8;
	[tilespmem:v6+s16+$0x0] =	vst.idx.msk $0xffff, v9  }
0x47: {  	s1 =	sand.u32 $0x78, s26;
	v6 =	vadd.s32 v3, v8;
	v4 =	vor.u32 $0x4, v4;
	v7 =	vld [tilespmem:s24+$0x0]  }
0x48: {  	v8 =	vmov s1;
	v9 =	vld [tilespmem:s24+$0x10];
	v6 =	vor.u32 $0x4, v6  }
0x49: {  	v8 =	vshrl.u32 v8, $0x3  }
0x4a: {  	v8 =	vshll.u32 v8, v1  }
0x4b: {  	v8 =	vbroadcast v8, $0x0  }
0x4c: {  	[tilespmem:v4+s16+$0x0] =	vst.idx.msk $0xffff, v7  }
0x4d: {  	s31 =	simm.s32 $0x6;
	v4 =	vadd.s32 v5, v8;
	[tilespmem:v6+s16+$0x0] =	vst.idx.msk $0xffff, v9  }
0x4e: {  	s1 =	sand.u32 $0x78, s31;
	v6 =	vadd.s32 v3, v8;
	v4 =	vor.u32 $0x5, v4;
	v7 =	vld [tilespmem:s24+$0x20]  }
0x4f: {  	v8 =	vmov s1;
	v9 =	vld [tilespmem:s24+$0x30];
	v6 =	vor.u32 $0x5, v6  }
0x50: {  	v8 =	vshrl.u32 v8, $0x3  }
0x51: {  	v8 =	vshll.u32 v8, v1  }
0x52: {  	v8 =	vbroadcast v8, $0x0  }
0x53: {  	[tilespmem:v4+s16+$0x0] =	vst.idx.msk $0xffff, v7  }
0x54: {  	s0 =	simm.s32 $0x7;
	v4 =	vadd.s32 v5, v8;
	[tilespmem:v6+s16+$0x0] =	vst.idx.msk $0xffff, v9  }
0x55: {  	s1 =	sand.u32 $0x78, s0;
	v6 =	vadd.s32 v3, v8;
	v4 =	vor.u32 $0x6, v4;
	v7 =	vld [tilespmem:s24+$0x40]  }
0x56: {  	v8 =	vmov s1;
	v9 =	vld [tilespmem:s24+$0x50];
	v6 =	vor.u32 $0x6, v6  }
0x57: {  	v8 =	vshrl.u32 v8, $0x3  }
0x58: {  	v8 =	vshll.u32 v8, v1  }
0x59: {  	v8 =	vbroadcast v8, $0x0  }
0x5a: {  	s29 =	simm.s32 $0xF;
	[tilespmem:v4+s16+$0x0] =	vst.idx.msk $0xffff, v7  }
0x5b: {  	s28 =	simm.s32 $0x9;
	s30 =	simm.s32 $0xA;
	s6 =	simm.s32 $0x0;
	v4 =	vadd.s32 v5, v8;
	[tilespmem:v6+s16+$0x0] =	vst.idx.msk $0xffff, v9  }
0x5c: {  	s28 =	sand.u32 $0x78, s28;
	s26 =	simm.s32 $0x8;
	s1 =	sand.u32 $0x18, s6;
	v12 =	vor.u32 $0x7, v4;
	v11 =	vld [tilespmem:s24+$0x60]  }
0x5d: {  	s31 =	sand.u32 $0x78, s26;
	s0 =	sand.u32 $0x78, s30;
	s30 =	simm.s32 $0xC;
	v3 =	vadd.s32 v3, v8;
	v5 =	vmov s28;
	v4 =	vmov s1  }
0x5e: {  	s29 =	sand.u32 $0x78, s29;
	s6 =	sand.u32 $0x78, s30;
	v6 =	vor.u32 $0x7, v3;
	v3 =	vmov s31;
	v4 =	vmul.u32 $0x88, v4;
	v7 =	vld [tilespmem:s24+$0x70]  }
0x5f: {  	s25 =	sshll.u32 s22, $0x1;
	s26 =	simm.s32 $0x17;
	s31 =	simm.s32 $0xE;
	v13 =	vshrl.u32 v5, $0x3;
	v5 =	vmov s6;
	v8 =	vshrl.u32 v3, $0x3  }
0x60: {  	s30 =	simm.s32 $0xB;
	v3 =	vmov s0;
	s0 =	simm.s32 $0xD;
	s31 =	sand.u32 $0x78, s31;
	v9 =	vbroadcast v4, $0x0;
	v4 =	vshll.u32 v8, v1  }
0x61: {  	s28 =	simm.s32 $0x1;
	s1 =	sand.u32 $0x78, s30;
	s30 =	sand.u32 $0x78, s0;
	v8 =	vshll.u32 v13, v1;
	v10 =	vbroadcast v4, $0x0;
	v4 =	vmov s31;
	[tilespmem:v12+s16+$0x0] =	vst.idx.msk $0xffff, v11  }
.LBB2_3:
0x62: {  	p1 =	sne.s32 s26, $0x1FF  }
0x63: {  	v11 =	vadd.s32 v0, v9;
	v5 =	vshrl.u32 v5, $0x3;
	v12 =	vmov s29;
	[tilespmem:v6+s16+$0x0] =	vst.idx.msk $0xffff, v7;
	s24 =	sadd.s32 $0x100, s24;
	s29 =	smov.u32 s26;
	s26 =	sadd.s32 $0x8, s26  }
0x64: {  	v9 =	vadd.s32 v2, v9;
	v13 =	vmov s30;
	v6 =	vld [tilespmem:s24+$0xFFFFFF80];
	v7 =	vadd.s32 v10, v11  }
0x65: {  	v15 =	vmov s1;
	v10 =	vadd.s32 v10, v9;
	v5 =	vshll.u32 v5, v1;
	v14 =	vld [tilespmem:s24+$0xFFFFFF90]  }
0x66: {  	v4 =	vshrl.u32 v4, $0x3;
	v15 =	vshrl.u32 v15, $0x3;
	v5 =	vbroadcast v5, $0x0  }
0x67: {  	v13 =	vshrl.u32 v13, $0x3;
	v4 =	vshll.u32 v4, v1;
	v15 =	vshll.u32 v15, v1  }
0x68: {  	v8 =	vbroadcast v8, $0x0;
	v12 =	vshrl.u32 v12, $0x3;
	v15 =	vbroadcast v15, $0x0  }
0x69: {  	[tilespmem:v7+s16+$0x0] =	vst.idx.msk $0xffff, v6;
	v6 =	vadd.s32 v11, v5;
	v5 =	vadd.s32 v9, v5  }
0x6a: {  	v4 =	vbroadcast v4, $0x0;
	v7 =	vadd.s32 v11, v8;
	v8 =	vadd.s32 v9, v8;
	[tilespmem:v10+s16+$0x0] =	vst.idx.msk $0xffff, v14  }
0x6b: {  	v7 =	vor.u32 $0x1, v7;
	v14 =	vadd.s32 v11, v15;
	v15 =	vadd.s32 v9, v15;
	v10 =	vld [tilespmem:s24+$0xFFFFFFA0]  }
0x6c: {  	v13 =	vshll.u32 v13, v1;
	v17 =	vadd.s32 v11, v4;
	v8 =	vor.u32 $0x1, v8;
	v16 =	vld [tilespmem:s24+$0xFFFFFFB0]  }
0x6d: {  	v3 =	vshrl.u32 v3, $0x3;
	v13 =	vbroadcast v13, $0x0;
	v4 =	vadd.s32 v9, v4  }
0x6e: {  	v3 =	vshll.u32 v3, v1;
	v12 =	vshll.u32 v12, v1  }
0x6f: {  	v3 =	vbroadcast v3, $0x0;
	v18 =	vadd.s32 v11, v13;
	v13 =	vadd.s32 v9, v13  }
0x70: {  	[tilespmem:v7+s16+$0x0] =	vst.idx.msk $0xffff, v10;
	v7 =	vbroadcast v12, $0x0  }
0x71: {  	[tilespmem:v8+s16+$0x0] =	vst.idx.msk $0xffff, v16;
	v8 =	vadd.s32 v11, v3;
	v3 =	vadd.s32 v9, v3  }
0x72: {  	v10 =	vld [tilespmem:s24+$0xFFFFFFC0];
	v8 =	vor.u32 $0x2, v8;
	v11 =	vadd.s32 v11, v7;
	v9 =	vadd.s32 v9, v7  }
0x73: {  	v3 =	vor.u32 $0x2, v3;
	v7 =	vld [tilespmem:s24+$0xFFFFFFD0];
	_ =	sdelay $0x3  }
0x74: {  	[tilespmem:v8+s16+$0x0] =	vst.idx.msk $0xffff, v10  }
0x75: {  	[tilespmem:v3+s16+$0x0] =	vst.idx.msk $0xffff, v7  }
0x76: {  	v7 =	vor.u32 $0x3, v14;
	v3 =	vld [tilespmem:s24+$0xFFFFFFE0]  }
0x77: {  	v10 =	vor.u32 $0x3, v15;
	v8 =	vld [tilespmem:s24+$0xFFFFFFF0];
	_ =	sdelay $0x3  }
0x78: {  	[tilespmem:v7+s16+$0x0] =	vst.idx.msk $0xffff, v3  }
0x79: {  	[tilespmem:v10+s16+$0x0] =	vst.idx.msk $0xffff, v8  }
0x7a: {  	v6 =	vor.u32 $0x4, v6;
	v3 =	vld [tilespmem:s24+$0x0]  }
0x7b: {  	v5 =	vor.u32 $0x4, v5;
	v7 =	vld [tilespmem:s24+$0x10];
	_ =	sdelay $0x3  }
0x7c: {  	[tilespmem:v6+s16+$0x0] =	vst.idx.msk $0xffff, v3  }
0x7d: {  	[tilespmem:v5+s16+$0x0] =	vst.idx.msk $0xffff, v7  }
0x7e: {  	v5 =	vor.u32 $0x5, v18;
	v3 =	vld [tilespmem:s24+$0x20]  }
0x7f: {  	v7 =	vor.u32 $0x5, v13;
	v6 =	vld [tilespmem:s24+$0x30];
	_ =	sdelay $0x3  }
0x80: {  	[tilespmem:v5+s16+$0x0] =	vst.idx.msk $0xffff, v3  }
0x81: {  	[tilespmem:v7+s16+$0x0] =	vst.idx.msk $0xffff, v6  }
0x82: {  	v5 =	vor.u32 $0x6, v17;
	v3 =	vld [tilespmem:s24+$0x40]  }
0x83: {  	v4 =	vor.u32 $0x6, v4;
	v6 =	vld [tilespmem:s24+$0x50];
	_ =	sdelay $0x3  }
0x84: {  	s28 =	sadd.s32 $0x1, s28;
	[tilespmem:v5+s16+$0x0] =	vst.idx.msk $0xffff, v3  }
0x85: {  	s0 =	sshrl.u32 s28, $0x1;
	s1 =	sadd.s32 $0xFFFFFFFB, s29;
	s31 =	sadd.s32 $0xFFFFFFFF, s29;
	[tilespmem:v4+s16+$0x0] =	vst.idx.msk $0xffff, v6  }
0x86: {  	s30 =	sadd.s32 $0xFFFFFFF9, s29;
	s6 =	sadd.s32 $0xFFFFFFFA, s29;
	s0 =	sand.u32 $0x18, s0;
	v11 =	vor.u32 $0x7, v11;
	v12 =	vld [tilespmem:s24+$0x60]  }
.Ltmp0:
0x87: {  	s6 =	sand.u32 $0x78, s6;
	v3 =	vmov s0;
	s0 =	sand.u32 $0x78, s30;
	v6 =	vor.u32 $0x7, v9;
	v7 =	vld [tilespmem:s24+$0x70];
	(pc) =	sbr.rel @p1 .LBB2_3-.Ltmp0, $4  }
0x88: {  	v4 =	vmov s0;
	v5 =	vmul.u32 $0x88, v3;
	v3 =	vmov s6;
	s0 =	sand.u32 $0x78, s1;
	s1 =	sadd.s32 $0xFFFFFFFC, s29;
	s6 =	sadd.s32 $0xFFFFFFFD, s29  }
0x89: {  	v4 =	vshrl.u32 v4, $0x3;
	v8 =	vshrl.u32 v3, $0x3;
	v3 =	vmov s0;
	s1 =	sand.u32 $0x78, s1;
	s0 =	sand.u32 $0x78, s6;
	s6 =	sadd.s32 $0xFFFFFFFE, s29  }
0x8a: {  	v9 =	vbroadcast v5, $0x0;
	v4 =	vshll.u32 v4, v1;
	v5 =	vmov s0;
	s30 =	sand.u32 $0x78, s6;
	s0 =	sand.u32 $0x78, s31  }
0x8b: {  	s29 =	sand.u32 $0x78, s29;
	v8 =	vshll.u32 v8, v1;
	v10 =	vbroadcast v4, $0x0;
	v4 =	vmov s0;
	[tilespmem:v11+s16+$0x0] =	vst.idx.msk $0xffff, v12  }
0x8c: {  	_ =	sdelay $0x3  }
0x8d: {  	v11 =	vadd.s32 v0, v9;
	[tilespmem:v6+s16+$0x0] =	vst.idx.msk $0xffff, v7;
	s24 =	sadd.s32 $0x100, s24  }
0x8e: {  	v45 =	vadd.s32 v2, v9;
	v6 =	vld [tilespmem:s24+$0xFFFFFF80];
	v44 =	vadd.s32 v10, v11  }
0x8f: {  	v12 =	vld [tilespmem:s24+$0xFFFFFF90];
	v46 =	vadd.s32 v10, v45;
	_ =	sdelay $0x2  }
0x90: {  	v8 =	vbroadcast v8, $0x0  }
0x91: {  	[tilespmem:v44+s16+$0x0] =	vst.idx.msk $0xffff, v6  }
0x92: {  	v47 =	vadd.s32 v11, v8;
	[tilespmem:v46+s16+$0x0] =	vst.idx.msk $0xffff, v12  }
0x93: {  	v48 =	vadd.s32 v45, v8;
	v6 =	vor.u32 $0x1, v47;
	v49 =	vld [tilespmem:s24+$0xFFFFFFA0]  }
0x94: {  	v7 =	vor.u32 $0x1, v48;
	v10 =	vld [tilespmem:s24+$0xFFFFFFB0]  }
0x95: {  	v3 =	vshrl.u32 v3, $0x3  }
0x96: {  	v3 =	vshll.u32 v3, v1  }
0x97: {  	v3 =	vbroadcast v3, $0x0  }
0x98: {  	[tilespmem:v6+s16+$0x0] =	vst.idx.msk $0xffff, v49  }
0x99: {  	v50 =	vadd.s32 v11, v3;
	[tilespmem:v7+s16+$0x0] =	vst.idx.msk $0xffff, v10  }
0x9a: {  	v3 =	vadd.s32 v45, v3;
	v6 =	vor.u32 $0x2, v50;
	v7 =	vld [tilespmem:s24+$0xFFFFFFC0]  }
0x9b: {  	v51 =	vmov s1;
	v3 =	vor.u32 $0x2, v3;
	v10 =	vld [tilespmem:s24+$0xFFFFFFD0]  }
0x9c: {  	v8 =	vshrl.u32 v51, $0x3  }
0x9d: {  	v8 =	vshll.u32 v8, v1  }
0x9e: {  	v8 =	vbroadcast v8, $0x0  }
0x9f: {  	[tilespmem:v6+s16+$0x0] =	vst.idx.msk $0xffff, v7  }
0xa0: {  	v52 =	vadd.s32 v11, v8;
	[tilespmem:v3+s16+$0x0] =	vst.idx.msk $0xffff, v10  }
0xa1: {  	v6 =	vor.u32 $0x3, v52;
	v3 =	vadd.s32 v45, v8;
	v7 =	vld [tilespmem:s24+$0xFFFFFFE0]  }
0xa2: {  	v53 =	vld [tilespmem:s24+$0xFFFFFFF0];
	v3 =	vor.u32 $0x3, v3  }
0xa3: {  	v5 =	vshrl.u32 v5, $0x3  }
0xa4: {  	v5 =	vshll.u32 v5, v1  }
0xa5: {  	v5 =	vbroadcast v5, $0x0  }
0xa6: {  	[tilespmem:v6+s16+$0x0] =	vst.idx.msk $0xffff, v7  }
0xa7: {  	v54 =	vadd.s32 v11, v5;
	[tilespmem:v3+s16+$0x0] =	vst.idx.msk $0xffff, v53  }
0xa8: {  	v6 =	vor.u32 $0x4, v54;
	v3 =	vadd.s32 v45, v5;
	v55 =	vld [tilespmem:s24+$0x0]  }
0xa9: {  	v56 =	vmov s30;
	v8 =	vld [tilespmem:s24+$0x10];
	v3 =	vor.u32 $0x4, v3  }
0xaa: {  	v7 =	vshrl.u32 v56, $0x3  }
0xab: {  	v7 =	vshll.u32 v7, v1  }
0xac: {  	v7 =	vbroadcast v7, $0x0  }
0xad: {  	[tilespmem:v6+s16+$0x0] =	vst.idx.msk $0xffff, v55  }
0xae: {  	v57 =	vadd.s32 v11, v7;
	[tilespmem:v3+s16+$0x0] =	vst.idx.msk $0xffff, v8  }
0xaf: {  	v5 =	vor.u32 $0x5, v57;
	v3 =	vadd.s32 v45, v7;
	v6 =	vld [tilespmem:s24+$0x20]  }
0xb0: {  	v58 =	vld [tilespmem:s24+$0x30];
	v3 =	vor.u32 $0x5, v3  }
0xb1: {  	v4 =	vshrl.u32 v4, $0x3  }
0xb2: {  	v4 =	vshll.u32 v4, v1  }
0xb3: {  	v4 =	vbroadcast v4, $0x0  }
0xb4: {  	[tilespmem:v5+s16+$0x0] =	vst.idx.msk $0xffff, v6  }
0xb5: {  	v59 =	vadd.s32 v11, v4;
	[tilespmem:v3+s16+$0x0] =	vst.idx.msk $0xffff, v58  }
0xb6: {  	v5 =	vor.u32 $0x6, v59;
	v3 =	vadd.s32 v45, v4;
	v60 =	vld [tilespmem:s24+$0x40]  }
0xb7: {  	v61 =	vmov s29;
	v7 =	vld [tilespmem:s24+$0x50];
	v3 =	vor.u32 $0x6, v3  }
0xb8: {  	v6 =	vshrl.u32 v61, $0x3  }
0xb9: {  	v6 =	vshll.u32 v6, v1  }
0xba: {  	v6 =	vbroadcast v6, $0x0  }
0xbb: {  	[tilespmem:v5+s16+$0x0] =	vst.idx.msk $0xffff, v60  }
0xbc: {  	v62 =	vadd.s32 v11, v6;
	[tilespmem:v3+s16+$0x0] =	vst.idx.msk $0xffff, v7  }
0xbd: {  	v4 =	vor.u32 $0x7, v62;
	v3 =	vadd.s32 v45, v6;
	v5 =	vld [tilespmem:s24+$0x60]  }
0xbe: {  	s0 =	sadd.s32 s5, s25;
	v63 =	vld [tilespmem:s24+$0x70];
	v3 =	vor.u32 $0x7, v3  }
0xbf: {  	s31 =	sshll.u32 s0, $0x9;
	s0 =	sshll.u32 s0, $0xB  }
0xc0: {  	s1 =	sand.u32 $0x3C00, s31;
	s0 =	sand.u32 $0x7FFF0000, s0  }
0xc1: {  	s24 =	sor.u32 s1, s0  }
0xc2: {  	s25 =	simm.s32 $0xE400;
	s1 =	sadd.s32 s2, s24;
	[tilespmem:v4+s16+$0x0] =	vst.idx.msk $0xffff, v5  }
0xc3: {  	s26 =	simm.s32 $0x10;
	s28 =	simm.s32 $0xE488;
	s29 =	sadd.s32 $0x0, s1;
	[tilespmem:v3+s16+$0x0] =	vst.idx.msk $0xffff, v63  }
.LBB2_5:
0xc4: {  	[hbm4b:s29+s3] =	stream.linear.scatter [tilespmem:s25], [sflag:$0x3], $0x80, $0x38;
	[tilespmem:$0x16C00] =	vst v63  }
0xc5: {  	s0 =	smov.u32 s26;
	s25 =	smov.u32 s28;
	p1 =	sne.s32 s26, $0x1F0  }
.Ltmp1:
0xc6: {  	s26 =	sadd.s32 $0x10, s26;
	(pc) =	sbr.rel @p1 .LBB2_5-.Ltmp1, $2  }
0xc7: {  	_ =	sdelay $0x2  }
0xc8: {  	s28 =	sadd.s32 $0x88, s28;
	s29 =	sadd.s32 s0, s1  }
0xc9: {  	[hbm4b:s29+s3] =	stream.linear.scatter [tilespmem:s25], [sflag:$0x3], $0x80, $0x38;
	[tilespmem:$0x16C00] =	vst v63  }
0xca: {  	s1 =	sadd.s32 s24, s7;
	s25 =	simm.s32 $0xF500  }
0xcb: {  	s26 =	simm.s32 $0x10;
	s28 =	simm.s32 $0xF588;
	s29 =	sadd.s32 $0x0, s1  }
.LBB2_7:
0xcc: {  	[hbm4b:s29+s3] =	stream.linear.scatter [tilespmem:s25], [sflag:$0x3], $0x80, $0x38;
	[tilespmem:$0x16C00] =	vst v63  }
0xcd: {  	s0 =	smov.u32 s26;
	s25 =	smov.u32 s28;
	p1 =	sne.s32 s26, $0x1F0  }
.Ltmp2:
0xce: {  	s26 =	sadd.s32 $0x10, s26;
	(pc) =	sbr.rel @p1 .LBB2_7-.Ltmp2, $2  }
0xcf: {  	_ =	sdelay $0x2  }
0xd0: {  	s28 =	sadd.s32 $0x88, s28;
	s29 =	sadd.s32 s0, s1  }
0xd1: {  	[hbm4b:s29+s3] =	stream.linear.scatter [tilespmem:s25], [sflag:$0x3], $0x80, $0x38;
	[tilespmem:$0x16C00] =	vst v63  }
0xd2: {  	s1 =	sadd.s32 s24, s8;
	s25 =	simm.s32 $0x10600  }
0xd3: {  	s26 =	simm.s32 $0x10;
	s28 =	simm.s32 $0x10688;
	s29 =	sadd.s32 $0x0, s1  }
.LBB2_9:
0xd4: {  	[hbm4b:s29+s3] =	stream.linear.scatter [tilespmem:s25], [sflag:$0x3], $0x80, $0x38;
	[tilespmem:$0x16C00] =	vst v63  }
0xd5: {  	s0 =	smov.u32 s26;
	s25 =	smov.u32 s28;
	p1 =	sne.s32 s26, $0x1F0  }
.Ltmp3:
0xd6: {  	s26 =	sadd.s32 $0x10, s26;
	(pc) =	sbr.rel @p1 .LBB2_9-.Ltmp3, $2  }
0xd7: {  	_ =	sdelay $0x2  }
0xd8: {  	s28 =	sadd.s32 $0x88, s28;
	s29 =	sadd.s32 s0, s1  }
0xd9: {  	[hbm4b:s29+s3] =	stream.linear.scatter [tilespmem:s25], [sflag:$0x3], $0x80, $0x38;
	[tilespmem:$0x16C00] =	vst v63  }
0xda: {  	s1 =	sadd.s32 s24, s9;
	s24 =	simm.s32 $0x11700  }
0xdb: {  	s25 =	simm.s32 $0x10;
	s26 =	simm.s32 $0x11788;
	s28 =	sadd.s32 $0x0, s1  }
.LBB2_11:
0xdc: {  	[hbm4b:s28+s3] =	stream.linear.scatter [tilespmem:s24], [sflag:$0x3], $0x80, $0x38;
	[tilespmem:$0x16C00] =	vst v63  }
0xdd: {  	s0 =	smov.u32 s25;
	s24 =	smov.u32 s26;
	p1 =	sne.s32 s25, $0x1F0  }
.Ltmp4:
0xde: {  	s25 =	sadd.s32 $0x10, s25;
	(pc) =	sbr.rel @p1 .LBB2_11-.Ltmp4, $2  }
0xdf: {  	_ =	sdelay $0x2  }
0xe0: {  	s26 =	sadd.s32 $0x88, s26;
	s28 =	sadd.s32 s0, s1  }
0xe1: {  	p1 =	sne.s32 s22, $0x18  }
.Ltmp5:
0xe2: {  	_ = 	snop;
	(pc) =	sbr.rel @p1 .LBB2_14-.Ltmp5, $2  }
0xe3: {  	_ =	sdelay $0x2  }
0xe4: {  	[hbm4b:s28+s3] =	stream.linear.scatter [tilespmem:s24], [sflag:$0x3], $0x80, $0x38;
	[tilespmem:$0x16C00] =	vst v63  }
.Ltmp6:
0xe5: {  	(pc) =	sbr.rel .LBB2_15-.Ltmp6, $4  }
0xe6: {  	_ = 	snop  }
0xe7: {  	_ =	swait.ge [sflag:s17], $0x4000  }
0xe8: {  	[sflag:s17] =	ssyncset.done $0x0  }
0xe9: {  	[sflag:s17] =	ssyncadd.s32 $0xFFFFC000  }
.LBB2_14:
0xea: {  	s0 =	sshll.u32 s22, $0xA  }
0xeb: {  	s0 =	sand.u32 $0x3FFFFC00, s0  }
.Ltmp7:
0xec: {  	s0 =	sadd.s32 $0x400, s0;
	(pc) =	sbr.rel @p0 .LBB2_16-.Ltmp7, $4  }
0xed: {  	[tilespmem:s13], [sflag:$0x1] =	stream.indirect.gather [hbm4b:s4+s12], $0x20, s0, s12, $0xb8;
	[tilespmem:$0x16C00] =	vst v63  }
0xee: {  	_ =	swait.ge [sflag:s17], $0x4000  }
0xef: {  	[sflag:s17] =	ssyncset.done $0x0  }
0xf0: {  	[sflag:s17] =	ssyncadd.s32 $0xFFFFC000  }
.LBB2_15:
0xf1: {  	_ =	swait.ge [sflag:s18], $0x1000  }
0xf2: {  	[sflag:s18] =	ssyncset.done $0x0  }
0xf3: {  	[sflag:s18] =	ssyncadd.s32 $0xFFFFF000  }
0xf4: {  	_ =	swait.ge [sflag:s18], $0x1000  }
0xf5: {  	[sflag:s18] =	ssyncset.done $0x0  }
0xf6: {  	[sflag:s18] =	ssyncadd.s32 $0xFFFFF000  }
0xf7: {  	_ =	swait.ge [sflag:s18], $0x1000  }
0xf8: {  	[sflag:s18] =	ssyncset.done $0x0  }
0xf9: {  	[sflag:s18] =	ssyncadd.s32 $0xFFFFF000  }
0xfa: {  	_ =	swait.ge [sflag:s18], $0x1000  }
0xfb: {  	[sflag:s18] =	ssyncset.done $0x0  }
0xfc: {  	[sflag:s18] =	ssyncadd.s32 $0xFFFFF000  }
.LBB2_16:
0xfd: {  	s0 =	simm.s32 $0x0  }
0xfe: {  	s1 =	simm.s32 $0x0;
	s0 =	sand.u32 $0x18, s0  }
0xff: {  	s25 =	sand.u32 $0x78, s1;
	v3 =	vmov s0  }
0x100: {  	v4 =	vmov s25;
	v3 =	vmul.u32 $0x88, v3  }
0x101: {  	v4 =	vshrl.u32 v4, $0x3  }
0x102: {  	v4 =	vshll.u32 v4, v1;
	v3 =	vbroadcast v3, $0x0  }
0x103: {  	v4 =	vbroadcast v4, $0x0  }
0x104: {  	s29 =	simm.s32 $0x0;
	s26 =	simm.s32 $0x1;
	v5 =	vadd.s32 v0, v3  }
0x105: {  	v6 =	vld [tilespmem:s29+$0xA400];
	s0 =	sand.u32 $0x78, s26;
	v3 =	vadd.s32 v2, v3;
	v7 =	vadd.s32 v4, v5  }
0x106: {  	v9 =	vld [tilespmem:s29+$0xA410];
	v8 =	vmov s0;
	v4 =	vadd.s32 v4, v3  }
0x107: {  	v8 =	vshrl.u32 v8, $0x3  }
0x108: {  	v8 =	vshll.u32 v8, v1  }
0x109: {  	v8 =	vbroadcast v8, $0x0  }
0x10a: {  	[tilespmem:v7+s19+$0x0] =	vst.idx.msk $0xffff, v6  }
0x10b: {  	s1 =	simm.s32 $0x2;
	v6 =	vadd.s32 v5, v8;
	[tilespmem:v4+s19+$0x0] =	vst.idx.msk $0xffff, v9  }
0x10c: {  	s0 =	sand.u32 $0x78, s1;
	v4 =	vadd.s32 v3, v8;
	v6 =	vor.u32 $0x1, v6;
	v7 =	vld [tilespmem:s29+$0xA420]  }
0x10d: {  	v8 =	vmov s0;
	v9 =	vld [tilespmem:s29+$0xA430];
	v4 =	vor.u32 $0x1, v4  }
0x10e: {  	v8 =	vshrl.u32 v8, $0x3  }
0x10f: {  	v8 =	vshll.u32 v8, v1  }
0x110: {  	v8 =	vbroadcast v8, $0x0  }
0x111: {  	[tilespmem:v6+s19+$0x0] =	vst.idx.msk $0xffff, v7  }
0x112: {  	s6 =	simm.s32 $0x3;
	[tilespmem:v4+s19+$0x0] =	vst.idx.msk $0xffff, v9;
	v4 =	vadd.s32 v5, v8  }
0x113: {  	s0 =	sand.u32 $0x78, s6;
	v6 =	vadd.s32 v3, v8;
	v7 =	vld [tilespmem:s29+$0xA440];
	v4 =	vor.u32 $0x2, v4  }
0x114: {  	v8 =	vmov s0;
	v6 =	vor.u32 $0x2, v6;
	v9 =	vld [tilespmem:s29+$0xA450]  }
0x115: {  	v8 =	vshrl.u32 v8, $0x3  }
0x116: {  	v8 =	vshll.u32 v8, v1  }
0x117: {  	v8 =	vbroadcast v8, $0x0  }
0x118: {  	[tilespmem:v4+s19+$0x0] =	vst.idx.msk $0xffff, v7  }
0x119: {  	s24 =	simm.s32 $0x4;
	v4 =	vadd.s32 v5, v8;
	[tilespmem:v6+s19+$0x0] =	vst.idx.msk $0xffff, v9  }
0x11a: {  	s0 =	sand.u32 $0x78, s24;
	v6 =	vadd.s32 v3, v8;
	v4 =	vor.u32 $0x3, v4;
	v7 =	vld [tilespmem:s29+$0xA460]  }
0x11b: {  	v8 =	vmov s0;
	v9 =	vld [tilespmem:s29+$0xA470];
	v6 =	vor.u32 $0x3, v6  }
0x11c: {  	v8 =	vshrl.u32 v8, $0x3  }
0x11d: {  	v8 =	vshll.u32 v8, v1  }
0x11e: {  	v8 =	vbroadcast v8, $0x0  }
0x11f: {  	[tilespmem:v4+s19+$0x0] =	vst.idx.msk $0xffff, v7  }
0x120: {  	s25 =	simm.s32 $0x5;
	v4 =	vadd.s32 v5, v8;
	[tilespmem:v6+s19+$0x0] =	vst.idx.msk $0xffff, v9  }
0x121: {  	s0 =	sand.u32 $0x78, s25;
	v6 =	vadd.s32 v3, v8;
	v4 =	vor.u32 $0x4, v4;
	v7 =	vld [tilespmem:s29+$0xA480]  }
0x122: {  	v8 =	vmov s0;
	v9 =	vld [tilespmem:s29+$0xA490];
	v6 =	vor.u32 $0x4, v6  }
0x123: {  	v8 =	vshrl.u32 v8, $0x3  }
0x124: {  	v8 =	vshll.u32 v8, v1  }
0x125: {  	v8 =	vbroadcast v8, $0x0  }
0x126: {  	[tilespmem:v4+s19+$0x0] =	vst.idx.msk $0xffff, v7  }
0x127: {  	s26 =	simm.s32 $0x6;
	v4 =	vadd.s32 v5, v8;
	[tilespmem:v6+s19+$0x0] =	vst.idx.msk $0xffff, v9  }
0x128: {  	s0 =	sand.u32 $0x78, s26;
	v6 =	vadd.s32 v3, v8;
	v4 =	vor.u32 $0x5, v4;
	v7 =	vld [tilespmem:s29+$0xA4A0]  }
0x129: {  	v8 =	vmov s0;
	v9 =	vld [tilespmem:s29+$0xA4B0];
	v6 =	vor.u32 $0x5, v6  }
0x12a: {  	v8 =	vshrl.u32 v8, $0x3  }
0x12b: {  	v8 =	vshll.u32 v8, v1  }
0x12c: {  	v8 =	vbroadcast v8, $0x0  }
0x12d: {  	[tilespmem:v4+s19+$0x0] =	vst.idx.msk $0xffff, v7  }
0x12e: {  	s1 =	simm.s32 $0x7;
	v4 =	vadd.s32 v5, v8;
	[tilespmem:v6+s19+$0x0] =	vst.idx.msk $0xffff, v9  }
0x12f: {  	s0 =	sand.u32 $0x78, s1;
	v6 =	vadd.s32 v3, v8;
	v4 =	vor.u32 $0x6, v4;
	v7 =	vld [tilespmem:s29+$0xA4C0]  }
0x130: {  	v8 =	vmov s0;
	v9 =	vld [tilespmem:s29+$0xA4D0];
	v6 =	vor.u32 $0x6, v6  }
0x131: {  	v8 =	vshrl.u32 v8, $0x3  }
0x132: {  	v8 =	vshll.u32 v8, v1  }
0x133: {  	v8 =	vbroadcast v8, $0x0  }
0x134: {  	[tilespmem:v4+s19+$0x0] =	vst.idx.msk $0xffff, v7  }
0x135: {  	s28 =	simm.s32 $0xA;
	s6 =	simm.s32 $0x0;
	s24 =	simm.s32 $0x100;
	v4 =	vadd.s32 v5, v8;
	[tilespmem:v6+s19+$0x0] =	vst.idx.msk $0xffff, v9  }
0x136: {  	s26 =	simm.s32 $0x8;
	s0 =	sand.u32 $0x18, s6;
	s6 =	simm.s32 $0x9;
	v3 =	vadd.s32 v3, v8;
	v12 =	vor.u32 $0x7, v4;
	v11 =	vld [tilespmem:s29+$0xA4E0]  }
0x137: {  	s25 =	simm.s32 $0x800;
	s1 =	sand.u32 $0x78, s26;
	s6 =	sand.u32 $0x78, s6;
	v4 =	vmov s0;
	v6 =	vor.u32 $0x7, v3;
	v7 =	vld [tilespmem:s29+$0xA4F0]  }
0x138: {  	s26 =	simm.s32 $0x1;
	v3 =	vmov s1;
	s0 =	sand.u32 $0x78, s28;
	s1 =	simm.s32 $0xC;
	v5 =	vmul.u32 $0x88, v4;
	v4 =	vmov s6  }
0x139: {  	s28 =	simm.s32 $0xF;
	s6 =	simm.s32 $0xE;
	v3 =	vshrl.u32 v3, $0x3;
	v10 =	vshrl.u32 v4, $0x3;
	v4 =	vmov s0;
	s0 =	sand.u32 $0x78, s1  }
0x13a: {  	s29 =	simm.s32 $0xD;
	s1 =	simm.s32 $0xB;
	v3 =	vshll.u32 v3, v1;
	s6 =	sand.u32 $0x78, s6;
	v8 =	vbroadcast v5, $0x0;
	v5 =	vmov s0  }
0x13b: {  	s31 =	sand.u32 $0x78, s28;
	s30 =	sand.u32 $0x78, s29;
	s1 =	sand.u32 $0x78, s1;
	v9 =	vbroadcast v3, $0x0;
	v10 =	vshll.u32 v10, v1;
	v3 =	vmov s6;
	[tilespmem:v12+s19+$0x0] =	vst.idx.msk $0xffff, v11  }
.LBB2_17:
0x13c: {  	s29 =	sshra.s32 s25, $0x2;
	p0 =	sne.s32 s25, $0xFC00;
	s25 =	sadd.s32 $0x400, s25;
	v11 =	vadd.s32 v0, v8;
	v5 =	vshrl.u32 v5, $0x3;
	v12 =	vmov s31;
	[tilespmem:v6+s19+$0x0] =	vst.idx.msk $0xffff, v7  }
0x13d: {  	v8 =	vadd.s32 v2, v8;
	v6 =	vld [tilespmem:s24+$0xA400];
	v7 =	vadd.s32 v9, v11;
	v12 =	vshrl.u32 v12, $0x3  }
0x13e: {  	v10 =	vbroadcast v10, $0x0;
	v9 =	vadd.s32 v9, v8;
	v13 =	vld [tilespmem:s24+$0xA410];
	v12 =	vshll.u32 v12, v1  }
0x13f: {  	v14 =	vmov s1;
	v5 =	vshll.u32 v5, v1;
	v12 =	vbroadcast v12, $0x0  }
0x140: {  	v14 =	vshrl.u32 v14, $0x3;
	v5 =	vbroadcast v5, $0x0  }
0x141: {  	v15 =	vmov s30;
	v16 =	vadd.s32 v11, v12;
	v12 =	vadd.s32 v8, v12  }
0x142: {  	[tilespmem:v7+s19+$0x0] =	vst.idx.msk $0xffff, v6;
	v6 =	vadd.s32 v11, v10;
	v7 =	vadd.s32 v8, v10;
	v10 =	vshrl.u32 v15, $0x3  }
0x143: {  	[tilespmem:v9+s19+$0x0] =	vst.idx.msk $0xffff, v13;
	v9 =	vadd.s32 v11, v5;
	v5 =	vadd.s32 v8, v5  }
0x144: {  	v14 =	vshll.u32 v14, v1;
	v6 =	vor.u32 $0x1, v6;
	v10 =	vshll.u32 v10, v1;
	v13 =	vld [tilespmem:s24+$0xA420]  }
0x145: {  	v14 =	vbroadcast v14, $0x0;
	v7 =	vor.u32 $0x1, v7;
	v10 =	vbroadcast v10, $0x0;
	v15 =	vld [tilespmem:s24+$0xA430]  }
0x146: {  	v4 =	vshrl.u32 v4, $0x3  }
0x147: {  	v4 =	vshll.u32 v4, v1;
	v17 =	vadd.s32 v11, v14;
	v14 =	vadd.s32 v8, v14  }
0x148: {  	v4 =	vbroadcast v4, $0x0;
	v18 =	vadd.s32 v11, v10;
	v10 =	vadd.s32 v8, v10  }
0x149: {  	[tilespmem:v6+s19+$0x0] =	vst.idx.msk $0xffff, v13  }
0x14a: {  	v6 =	vadd.s32 v11, v4;
	v4 =	vadd.s32 v8, v4;
	[tilespmem:v7+s19+$0x0] =	vst.idx.msk $0xffff, v15  }
0x14b: {  	v6 =	vor.u32 $0x2, v6;
	v7 =	vld [tilespmem:s24+$0xA440]  }
0x14c: {  	v4 =	vor.u32 $0x2, v4;
	v13 =	vld [tilespmem:s24+$0xA450];
	_ =	sdelay $0x3  }
0x14d: {  	[tilespmem:v6+s19+$0x0] =	vst.idx.msk $0xffff, v7  }
0x14e: {  	[tilespmem:v4+s19+$0x0] =	vst.idx.msk $0xffff, v13  }
0x14f: {  	v6 =	vor.u32 $0x3, v17;
	v4 =	vld [tilespmem:s24+$0xA460]  }
0x150: {  	v13 =	vor.u32 $0x3, v14;
	v7 =	vld [tilespmem:s24+$0xA470];
	_ =	sdelay $0x3  }
0x151: {  	[tilespmem:v6+s19+$0x0] =	vst.idx.msk $0xffff, v4  }
0x152: {  	[tilespmem:v13+s19+$0x0] =	vst.idx.msk $0xffff, v7  }
0x153: {  	v6 =	vor.u32 $0x4, v9;
	v4 =	vld [tilespmem:s24+$0xA480]  }
0x154: {  	v5 =	vor.u32 $0x4, v5;
	v7 =	vld [tilespmem:s24+$0xA490];
	_ =	sdelay $0x3  }
0x155: {  	[tilespmem:v6+s19+$0x0] =	vst.idx.msk $0xffff, v4  }
0x156: {  	[tilespmem:v5+s19+$0x0] =	vst.idx.msk $0xffff, v7  }
0x157: {  	v5 =	vor.u32 $0x5, v18;
	v4 =	vld [tilespmem:s24+$0xA4A0]  }
0x158: {  	v7 =	vor.u32 $0x5, v10;
	v6 =	vld [tilespmem:s24+$0xA4B0]  }
0x159: {  	v3 =	vshrl.u32 v3, $0x3  }
0x15a: {  	v3 =	vshll.u32 v3, v1  }
0x15b: {  	v3 =	vbroadcast v3, $0x0  }
0x15c: {  	[tilespmem:v5+s19+$0x0] =	vst.idx.msk $0xffff, v4  }
0x15d: {  	v4 =	vadd.s32 v11, v3;
	v3 =	vadd.s32 v8, v3;
	[tilespmem:v7+s19+$0x0] =	vst.idx.msk $0xffff, v6  }
0x15e: {  	v4 =	vor.u32 $0x6, v4;
	v5 =	vld [tilespmem:s24+$0xA4C0]  }
0x15f: {  	v3 =	vor.u32 $0x6, v3;
	v6 =	vld [tilespmem:s24+$0xA4D0];
	_ =	sdelay $0x3  }
0x160: {  	s26 =	sadd.s32 $0x1, s26;
	s28 =	sadd.s32 $0x8, s28;
	[tilespmem:v4+s19+$0x0] =	vst.idx.msk $0xffff, v5  }
0x161: {  	s0 =	sshrl.u32 s26, $0x1;
	s1 =	sadd.s32 $0xFFFFFFFB, s28;
	s6 =	sadd.s32 $0xFFFFFFFF, s28;
	[tilespmem:v3+s19+$0x0] =	vst.idx.msk $0xffff, v6  }
0x162: {  	s30 =	sadd.s32 $0xFFFFFFF9, s28;
	s31 =	sadd.s32 $0xFFFFFFFA, s28;
	s0 =	sand.u32 $0x18, s0;
	v13 =	vor.u32 $0x7, v16;
	v11 =	vld [tilespmem:s24+$0xA4E0]  }
.Ltmp8:
0x163: {  	v3 =	vmov s0;
	s0 =	sand.u32 $0x78, s30;
	s30 =	sand.u32 $0x78, s31;
	v6 =	vor.u32 $0x7, v12;
	v7 =	vld [tilespmem:s24+$0xA4F0];
	(pc) =	sbr.rel @p0 .LBB2_17-.Ltmp8, $4  }
0x164: {  	v4 =	vmov s0;
	v3 =	vmul.u32 $0x88, v3;
	v5 =	vmov s30;
	s0 =	sand.u32 $0x78, s1;
	s1 =	sadd.s32 $0xFFFFFFFC, s28;
	s24 =	sadd.s32 $0xFFFFFFFD, s28  }
0x165: {  	v9 =	vshrl.u32 v4, $0x3;
	v10 =	vshrl.u32 v5, $0x3;
	v4 =	vmov s0;
	s1 =	sand.u32 $0x78, s1;
	s0 =	sand.u32 $0x78, s24;
	s24 =	sadd.s32 $0xFFFFFFFE, s28  }
0x166: {  	v8 =	vbroadcast v3, $0x0;
	v3 =	vshll.u32 v9, v1;
	v5 =	vmov s0;
	s30 =	sand.u32 $0x78, s24;
	s0 =	sand.u32 $0x78, s6;
	s24 =	smov.u32 s29  }
0x167: {  	s31 =	sand.u32 $0x78, s28;
	v10 =	vshll.u32 v10, v1;
	v9 =	vbroadcast v3, $0x0;
	v3 =	vmov s0;
	[tilespmem:v13+s19+$0x0] =	vst.idx.msk $0xffff, v11  }
0x168: {  	_ =	sdelay $0x3  }
0x169: {  	v11 =	vadd.s32 v0, v8;
	[tilespmem:v6+s19+$0x0] =	vst.idx.msk $0xffff, v7  }
0x16a: {  	v43 =	vadd.s32 v2, v8;
	v6 =	vld [tilespmem:s24+$0xA400];
	v42 =	vadd.s32 v9, v11  }
0x16b: {  	v12 =	vld [tilespmem:s24+$0xA410];
	v44 =	vadd.s32 v9, v43;
	_ =	sdelay $0x2  }
0x16c: {  	v10 =	vbroadcast v10, $0x0  }
0x16d: {  	[tilespmem:v42+s19+$0x0] =	vst.idx.msk $0xffff, v6  }
0x16e: {  	v45 =	vadd.s32 v11, v10;
	[tilespmem:v44+s19+$0x0] =	vst.idx.msk $0xffff, v12  }
0x16f: {  	v46 =	vadd.s32 v43, v10;
	v6 =	vor.u32 $0x1, v45;
	v9 =	vld [tilespmem:s24+$0xA420]  }
0x170: {  	v7 =	vor.u32 $0x1, v46;
	v47 =	vld [tilespmem:s24+$0xA430]  }
0x171: {  	v4 =	vshrl.u32 v4, $0x3  }
0x172: {  	v4 =	vshll.u32 v4, v1  }
0x173: {  	v4 =	vbroadcast v4, $0x0  }
0x174: {  	[tilespmem:v6+s19+$0x0] =	vst.idx.msk $0xffff, v9  }
0x175: {  	v48 =	vadd.s32 v11, v4;
	[tilespmem:v7+s19+$0x0] =	vst.idx.msk $0xffff, v47  }
0x176: {  	v4 =	vadd.s32 v43, v4;
	v6 =	vor.u32 $0x2, v48;
	v7 =	vld [tilespmem:s24+$0xA440]  }
0x177: {  	v49 =	vmov s1;
	v4 =	vor.u32 $0x2, v4;
	v10 =	vld [tilespmem:s24+$0xA450]  }
0x178: {  	v9 =	vshrl.u32 v49, $0x3  }
0x179: {  	v9 =	vshll.u32 v9, v1  }
0x17a: {  	v9 =	vbroadcast v9, $0x0  }
0x17b: {  	[tilespmem:v6+s19+$0x0] =	vst.idx.msk $0xffff, v7  }
0x17c: {  	v50 =	vadd.s32 v11, v9;
	[tilespmem:v4+s19+$0x0] =	vst.idx.msk $0xffff, v10  }
0x17d: {  	v51 =	vadd.s32 v43, v9;
	v6 =	vor.u32 $0x3, v50;
	v7 =	vld [tilespmem:s24+$0xA460]  }
0x17e: {  	v4 =	vor.u32 $0x3, v51;
	v52 =	vld [tilespmem:s24+$0xA470]  }
0x17f: {  	v5 =	vshrl.u32 v5, $0x3  }
0x180: {  	v5 =	vshll.u32 v5, v1  }
0x181: {  	v5 =	vbroadcast v5, $0x0  }
0x182: {  	[tilespmem:v6+s19+$0x0] =	vst.idx.msk $0xffff, v7  }
0x183: {  	v53 =	vadd.s32 v11, v5;
	[tilespmem:v4+s19+$0x0] =	vst.idx.msk $0xffff, v52  }
0x184: {  	v54 =	vadd.s32 v43, v5;
	v6 =	vor.u32 $0x4, v53;
	v55 =	vld [tilespmem:s24+$0xA480]  }
0x185: {  	v56 =	vmov s30;
	v4 =	vor.u32 $0x4, v54;
	v9 =	vld [tilespmem:s24+$0xA490]  }
0x186: {  	v7 =	vshrl.u32 v56, $0x3  }
0x187: {  	v7 =	vshll.u32 v7, v1  }
0x188: {  	v7 =	vbroadcast v7, $0x0  }
0x189: {  	[tilespmem:v6+s19+$0x0] =	vst.idx.msk $0xffff, v55  }
0x18a: {  	v57 =	vadd.s32 v11, v7;
	[tilespmem:v4+s19+$0x0] =	vst.idx.msk $0xffff, v9  }
0x18b: {  	v58 =	vadd.s32 v43, v7;
	v5 =	vor.u32 $0x5, v57;
	v6 =	vld [tilespmem:s24+$0xA4A0]  }
0x18c: {  	v4 =	vor.u32 $0x5, v58;
	v59 =	vld [tilespmem:s24+$0xA4B0]  }
0x18d: {  	v3 =	vshrl.u32 v3, $0x3  }
0x18e: {  	v3 =	vshll.u32 v3, v1  }
0x18f: {  	v3 =	vbroadcast v3, $0x0  }
0x190: {  	[tilespmem:v5+s19+$0x0] =	vst.idx.msk $0xffff, v6  }
0x191: {  	v60 =	vadd.s32 v11, v3;
	[tilespmem:v4+s19+$0x0] =	vst.idx.msk $0xffff, v59  }
0x192: {  	v3 =	vadd.s32 v43, v3;
	v4 =	vor.u32 $0x6, v60;
	v5 =	vld [tilespmem:s24+$0xA4C0]  }
0x193: {  	v61 =	vmov s31;
	v3 =	vor.u32 $0x6, v3;
	v7 =	vld [tilespmem:s24+$0xA4D0]  }
0x194: {  	v6 =	vshrl.u32 v61, $0x3  }
0x195: {  	v6 =	vshll.u32 v6, v1  }
0x196: {  	v6 =	vbroadcast v6, $0x0  }
0x197: {  	[tilespmem:v4+s19+$0x0] =	vst.idx.msk $0xffff, v5  }
0x198: {  	v62 =	vadd.s32 v11, v6;
	[tilespmem:v3+s19+$0x0] =	vst.idx.msk $0xffff, v7  }
0x199: {  	v4 =	vor.u32 $0x7, v62;
	v3 =	vadd.s32 v43, v6;
	v5 =	vld [tilespmem:s24+$0xA4E0]  }
0x19a: {  	s0 =	sadd.s32 s5, s23;
	v63 =	vld [tilespmem:s24+$0xA4F0];
	v3 =	vor.u32 $0x7, v3  }
0x19b: {  	s31 =	sshll.u32 s0, $0x9;
	s0 =	sshll.u32 s0, $0xB  }
0x19c: {  	s1 =	sand.u32 $0x3E00, s31;
	s0 =	sand.u32 $0x7FFF0000, s0  }
0x19d: {  	s23 =	sor.u32 s1, s0  }
0x19e: {  	s25 =	simm.s32 $0x10;
	s1 =	sadd.s32 s2, s23;
	[tilespmem:v4+s19+$0x0] =	vst.idx.msk $0xffff, v5  }
0x19f: {  	s26 =	simm.s32 $0x12888;
	s28 =	sadd.s32 $0x0, s1;
	s24 =	simm.s32 $0x12800;
	[tilespmem:v3+s19+$0x0] =	vst.idx.msk $0xffff, v63  }
.LBB2_19:
0x1a0: {  	[hbm4b:s28+s3] =	stream.linear.scatter [tilespmem:s24], [sflag:$0x4], $0x80, $0x38;
	[tilespmem:$0x16C00] =	vst v63  }
0x1a1: {  	s0 =	smov.u32 s25;
	s24 =	smov.u32 s26;
	p0 =	sne.s32 s25, $0x1F0  }
.Ltmp9:
0x1a2: {  	s25 =	sadd.s32 $0x10, s25;
	(pc) =	sbr.rel @p0 .LBB2_19-.Ltmp9, $2  }
0x1a3: {  	_ =	sdelay $0x2  }
0x1a4: {  	s26 =	sadd.s32 $0x88, s26;
	s28 =	sadd.s32 s0, s1  }
0x1a5: {  	[hbm4b:s28+s3] =	stream.linear.scatter [tilespmem:s24], [sflag:$0x4], $0x80, $0x38;
	[tilespmem:$0x16C00] =	vst v63  }
0x1a6: {  	s1 =	sadd.s32 s23, s7;
	s24 =	simm.s32 $0x13900  }
0x1a7: {  	s25 =	simm.s32 $0x10;
	s26 =	simm.s32 $0x13988;
	s28 =	sadd.s32 $0x0, s1  }
.LBB2_21:
0x1a8: {  	[hbm4b:s28+s3] =	stream.linear.scatter [tilespmem:s24], [sflag:$0x4], $0x80, $0x38;
	[tilespmem:$0x16C00] =	vst v63  }
0x1a9: {  	s0 =	smov.u32 s25;
	s24 =	smov.u32 s26;
	p0 =	sne.s32 s25, $0x1F0  }
.Ltmp10:
0x1aa: {  	s25 =	sadd.s32 $0x10, s25;
	(pc) =	sbr.rel @p0 .LBB2_21-.Ltmp10, $2  }
0x1ab: {  	_ =	sdelay $0x2  }
0x1ac: {  	s26 =	sadd.s32 $0x88, s26;
	s28 =	sadd.s32 s0, s1  }
0x1ad: {  	[hbm4b:s28+s3] =	stream.linear.scatter [tilespmem:s24], [sflag:$0x4], $0x80, $0x38;
	[tilespmem:$0x16C00] =	vst v63  }
0x1ae: {  	s1 =	sadd.s32 s23, s8;
	s24 =	simm.s32 $0x14A00  }
0x1af: {  	s25 =	simm.s32 $0x10;
	s26 =	simm.s32 $0x14A88;
	s28 =	sadd.s32 $0x0, s1  }
.LBB2_23:
0x1b0: {  	[hbm4b:s28+s3] =	stream.linear.scatter [tilespmem:s24], [sflag:$0x4], $0x80, $0x38;
	[tilespmem:$0x16C00] =	vst v63  }
0x1b1: {  	s0 =	smov.u32 s25;
	s24 =	smov.u32 s26;
	p0 =	sne.s32 s25, $0x1F0  }
.Ltmp11:
0x1b2: {  	s25 =	sadd.s32 $0x10, s25;
	(pc) =	sbr.rel @p0 .LBB2_23-.Ltmp11, $2  }
0x1b3: {  	_ =	sdelay $0x2  }
0x1b4: {  	s26 =	sadd.s32 $0x88, s26;
	s28 =	sadd.s32 s0, s1  }
0x1b5: {  	[hbm4b:s28+s3] =	stream.linear.scatter [tilespmem:s24], [sflag:$0x4], $0x80, $0x38;
	[tilespmem:$0x16C00] =	vst v63  }
0x1b6: {  	s1 =	sadd.s32 s23, s9;
	s23 =	simm.s32 $0x15B00  }
0x1b7: {  	s24 =	simm.s32 $0x10;
	s25 =	simm.s32 $0x15B88;
	s26 =	sadd.s32 $0x0, s1  }
.LBB2_25:
0x1b8: {  	[hbm4b:s26+s3] =	stream.linear.scatter [tilespmem:s23], [sflag:$0x4], $0x80, $0x38;
	[tilespmem:$0x16C00] =	vst v63  }
0x1b9: {  	s0 =	smov.u32 s24;
	s23 =	smov.u32 s25;
	p0 =	sne.s32 s24, $0x1F0  }
.Ltmp12:
0x1ba: {  	s24 =	sadd.s32 $0x10, s24;
	(pc) =	sbr.rel @p0 .LBB2_25-.Ltmp12, $2  }
0x1bb: {  	_ =	sdelay $0x2  }
0x1bc: {  	s25 =	sadd.s32 $0x88, s25;
	s26 =	sadd.s32 s0, s1  }
0x1bd: {  	s22 =	sadd.s32 $0x1, s22  }
0x1be: {  	p0 =	sne.s32 s22, $0x19  }
.Ltmp13:
0x1bf: {  	_ = 	snop;
	(pc) =	sbr.rel @p0 .LBB2_2-.Ltmp13, $2  }
0x1c0: {  	_ =	sdelay $0x2  }
0x1c1: {  	[hbm4b:s26+s3] =	stream.linear.scatter [tilespmem:s23], [sflag:$0x4], $0x80, $0x38;
	[tilespmem:$0x16C00] =	vst v63  }
0x1c2: {  	_ =	swait.ge [sflag:s20], $0x1000  }
0x1c3: {  	[sflag:s20] =	ssyncset.done $0x0  }
0x1c4: {  	[sflag:s20] =	ssyncadd.s32 $0xFFFFF000  }
0x1c5: {  	_ =	swait.ge [sflag:s20], $0x1000  }
0x1c6: {  	[sflag:s20] =	ssyncset.done $0x0  }
0x1c7: {  	[sflag:s20] =	ssyncadd.s32 $0xFFFFF000  }
0x1c8: {  	_ =	swait.ge [sflag:s20], $0x1000  }
0x1c9: {  	[sflag:s20] =	ssyncset.done $0x0  }
0x1ca: {  	[sflag:s20] =	ssyncadd.s32 $0xFFFFF000  }
0x1cb: {  	_ =	swait.ge [sflag:s20], $0x1000  }
0x1cc: {  	[sflag:s20] =	ssyncset.done $0x0  }
0x1cd: {  	[sflag:s20] =	ssyncadd.s32 $0xFFFFF000  }
0x1ce: {  	_ =	swait.ge [sflag:s18], $0x1000  }
0x1cf: {  	[sflag:s18] =	ssyncset.done $0x0  }
0x1d0: {  	[sflag:s18] =	ssyncadd.s32 $0xFFFFF000  }
0x1d1: {  	_ =	swait.ge [sflag:s18], $0x1000  }
0x1d2: {  	[sflag:s18] =	ssyncset.done $0x0  }
0x1d3: {  	s21 =	sadd.s32 $0x1, s21;
	[sflag:s18] =	ssyncadd.s32 $0xFFFFF000  }
0x1d4: {  	p0 =	sne.s32 s21, s10;
	_ =	swait.ge [sflag:s18], $0x1000  }
.Ltmp14:
0x1d5: {  	[sflag:s18] =	ssyncset.done $0x0;
	(pc) =	sbr.rel @p0 .LBB2_1-.Ltmp14, $4  }
0x1d6: {  	[sflag:s18] =	ssyncadd.s32 $0xFFFFF000  }
0x1d7: {  	_ =	swait.ge [sflag:s18], $0x1000  }
0x1d8: {  	[sflag:s18] =	ssyncset.done $0x0  }
0x1d9: {  	[sflag:s18] =	ssyncadd.s32 $0xFFFFF000  }
0x1da: {  	_ =	sfence.sel $0x180000  }
0x1db: {  	[bflag:$0x0] =	sbarrier.arrive $0xFFFF  }
0x1dc: {  	_ =	strace $0x90000047  }
0x1dd: {  	s0 =	stileid.u32;
	[bflag:$0x2] =	sbarrier.arrive $0xFFFF  }
0x1de: {  	p0 =	sne.s32 s0, $0x0;
	s0 =	rddreg [dreg:$0x2]  }
0x1df: {  	s0 =	sadd.s32 @!p0 $0x100000, s0  }
0x1e0: {  	[sflag:s0] =	ssyncadd.tile.s32 @!p0 $0x1;
	_ =	shalt  }
.Lfunc_end2:
_tile_overlayer_lowered:
.L_overlay_start_2:
0x1e1: {  	(tag) =	ssettag $0x2  }
0x1e2: {  	s0 =	rddreg [dreg:$0x0];
	s2 =	stileid.u32  }
0x1e3: {  	s1 =	rddreg [dreg:$0x1];
	p0 =	sne.s32 s2, $0x0  }
0x1e4: {  	s3 =	rddreg [dreg:$0x2];
	[bflag:$0x3] =	sbarrier.arrive $0xFFFF;
	s2 =	simm.s32 @!p0 $0x1C05  }
0x1e5: {  	[timem:s3], [sflag:s2] =	dma.local @!p0 [hbm:s0], s1  }
0x1e6: {  	s0 =	simm.s32 @!p0 $0x5  }
0x1e7: {  	_ =	swait.ge @!p0 [sflag:s0], s1  }
0x1e8: {  	s1 =	ssub.s32 @!p0 $0x0, s1;
	[sflag:s0] =	ssyncset.done @!p0 $0x0  }
0x1e9: {  	[sflag:s0] =	ssyncadd.s32 @!p0 s1  }
0x1ea: {  	[bflag:$0x3] =	sbarrier.arrive $0xFFFF  }
0x1eb: {  	_ =	shalt  }

</sc_bundles>
